<compile_context>
chip_gen: v7x
topology: tpu7x:2x2x1
jax: 0.10.2.dev20260603
libtpu: 0.0.44.dev20260713+nightly
codegen_flags: <defaults>
</compile_context>

<pallas_src>
import functools

import jax
import jax.numpy as jnp
from jax import lax
from jax.experimental import pallas as pl
from jax.experimental.pallas import tpu as pltpu
from jax.experimental.pallas import tpu_sc as plsc

N_NODES = 10000
N_EDGES = 320000
D_FEAT = 128
HIDDEN = 100
OUT_DIM = 10

D1 = 112
D2 = 16
NC = 2
NS = 16
CHUNK = 40
EDGES_PER_TILE = N_EDGES // (NC * NS)
ITERS = EDGES_PER_TILE // CHUNK
ROWS_PER_TILE = 624
ROWS_TAIL = N_NODES - NS * ROWS_PER_TILE


def _mm_body(x_ref, w_ref, o_ref):
    o_ref[...] = jnp.dot(x_ref[...], w_ref[...],
                         preferred_element_type=jnp.float32)


def _matmul(x, w):
    m, k = x.shape
    n = w.shape[1]
    blk = 1000
    return pl.pallas_call(
        _mm_body,
        grid=(m // blk,),
        in_specs=[
            pl.BlockSpec((blk, k), lambda i: (i, 0)),
            pl.BlockSpec((k, n), lambda i: (0, 0)),
        ],
        out_specs=pl.BlockSpec((blk, n), lambda i: (i, 0)),
        out_shape=jax.ShapeDtypeStruct((m, n), jnp.float32),
    )(x, w)


def _relu_mm_body(p_ref, w_ref, o_ref):
    h = jnp.maximum(p_ref[0] + p_ref[1], 0.0)
    o_ref[...] = jnp.dot(h, w_ref[...], preferred_element_type=jnp.float32)


def _relu_matmul(p, w):
    _, m, k = p.shape
    n = w.shape[1]
    blk = 1000
    return pl.pallas_call(
        _relu_mm_body,
        grid=(m // blk,),
        in_specs=[
            pl.BlockSpec((2, blk, k), lambda i: (0, i, 0)),
            pl.BlockSpec((k, n), lambda i: (0, 0)),
        ],
        out_specs=pl.BlockSpec((blk, n), lambda i: (i, 0)),
        out_shape=jax.ShapeDtypeStruct((m, n), jnp.float32),
    )(p, w)


def _final_body(p_ref, o_ref):
    o_ref[...] = (p_ref[0] + p_ref[1])[:, :OUT_DIM]


def _final_combine(p):
    _, m, k = p.shape
    blk = 1000
    return pl.pallas_call(
        _final_body,
        grid=(m // blk,),
        in_specs=[pl.BlockSpec((2, blk, k), lambda i: (0, i, 0))],
        out_specs=pl.BlockSpec((blk, OUT_DIM), lambda i: (i, 0)),
        out_shape=jax.ShapeDtypeStruct((m, OUT_DIM), jnp.float32),
    )(p)


def _make_edge_agg(d):
    mesh = plsc.VectorSubcoreMesh(core_axis_name="c", subcore_axis_name="s")

    @functools.partial(
        pl.kernel,
        out_type=jax.ShapeDtypeStruct((NC, N_NODES, d), jnp.float32),
        mesh=mesh,
        compiler_params=pltpu.CompilerParams(use_tc_tiling_on_sc=False),
        scratch_types=[
            pltpu.VMEM((ITERS, CHUNK), jnp.int32),
            pltpu.VMEM((ITERS, CHUNK), jnp.int32),
            [pltpu.VMEM((CHUNK, d), jnp.float32) for _ in range(2)],
            pltpu.VMEM_SHARED((N_NODES, d), jnp.float32),
            pltpu.SemaphoreType.DMA,
        ],
    )
    def agg(table_hbm, src_hbm, dst_hbm, zeros_hbm, out_hbm,
            src_v, dst_v, msgs, acc_s, gsem):
        cid = lax.axis_index("c")
        sid = lax.axis_index("s")
        row0 = sid * ROWS_PER_TILE

        crow0 = (cid * NS + sid) * ITERS
        pltpu.async_copy(src_hbm.at[pl.ds(crow0, ITERS)], src_v, gsem)
        pltpu.async_copy(dst_hbm.at[pl.ds(crow0, ITERS)], dst_v, gsem)

        pltpu.sync_copy(zeros_hbm.at[pl.ds(row0, ROWS_PER_TILE)],
                        acc_s.at[pl.ds(row0, ROWS_PER_TILE)])

        @pl.when(sid == NS - 1)
        def _zero_tail():
            pltpu.sync_copy(zeros_hbm.at[pl.ds(NS * ROWS_PER_TILE, ROWS_TAIL)],
                            acc_s.at[pl.ds(NS * ROWS_PER_TILE, ROWS_TAIL)])

        pltpu.make_async_copy(src_hbm.at[pl.ds(crow0, ITERS)], src_v,
                              gsem).wait()
        pltpu.make_async_copy(dst_hbm.at[pl.ds(crow0, ITERS)], dst_v,
                              gsem).wait()
        plsc.subcore_barrier()

        def fire_gather(i, b):
            pltpu.async_copy(table_hbm.at[src_v.at[i]], msgs[b], gsem)

        def wait_gather(i, b):
            pltpu.make_async_copy(table_hbm.at[src_v.at[i]], msgs[b],
                                  gsem).wait()

        fire_gather(0, 0)

        def outer(k, carry):
            for p in range(2):
                i = 2 * k + p
                wait_gather(i, p)

                @pl.when(i < ITERS - 1)
                def _prefetch():
                    fire_gather(i + 1, 1 - p)

                pltpu.sync_copy(msgs[p], acc_s.at[dst_v.at[i]], add=True)
            return carry

        lax.fori_loop(0, ITERS // 2, outer, 0)
        plsc.subcore_barrier()

        pltpu.sync_copy(acc_s.at[pl.ds(row0, ROWS_PER_TILE)],
                        out_hbm.at[cid, pl.ds(row0, ROWS_PER_TILE)])

        @pl.when(sid == NS - 1)
        def _drain_tail():
            pltpu.sync_copy(acc_s.at[pl.ds(NS * ROWS_PER_TILE, ROWS_TAIL)],
                            out_hbm.at[cid, pl.ds(NS * ROWS_PER_TILE, ROWS_TAIL)])

    return agg


_agg_d1 = _make_edge_agg(D1)
_agg_d2 = _make_edge_agg(D2)


def kernel(x, edge_index, W0, W1):
    src = edge_index[0].astype(jnp.int32).reshape(N_EDGES // CHUNK, CHUNK)
    dst = edge_index[1].astype(jnp.int32).reshape(N_EDGES // CHUNK, CHUNK)
    w0p = jnp.pad(W0, ((0, 0), (0, D1 - HIDDEN)))
    w1p = jnp.pad(W1, ((0, D1 - HIDDEN), (0, D2 - OUT_DIM)))
    z1 = jnp.zeros((N_NODES, D1), jnp.float32)
    z2 = jnp.zeros((N_NODES, D2), jnp.float32)

    hw = _matmul(x, w0p)
    p1 = _agg_d1(hw, src, dst, z1)
    h1w = _relu_matmul(p1, w1p)
    p2 = _agg_d2(h1w, src, dst, z2)
    return _final_combine(p2)

# --- scband reference (transcript-rebuilt; emitter-appended) ---
"""Pipeline reference for scband-gcn-module-66202625900550 (READ-ONLY COPY).

The authoritative reference and input builder live on the scoring server;
editing this copy changes nothing except your own understanding.
"""

import jax, jax.numpy as jnp
import numpy as np

N_NODES = 10000
N_EDGES = 320000
D_FEAT = 128
HIDDEN = 100
OUT_DIM = 10


def setup_inputs(seed: int = 0) -> dict:
    key = jax.random.key(seed)
    k1, k2, k3, k4 = jax.random.split(key, 4)
    x = jax.random.normal(k1, (N_NODES, D_FEAT), dtype=jnp.float32)
    edge_index = jax.random.randint(k2, (2, N_EDGES), 0, N_NODES, dtype=jnp.int64)
    # Glorot-style init for GraphConvolution weights (multi_data path: two layers)
    s0 = float(np.sqrt(6.0 / (D_FEAT + HIDDEN)))
    s1 = float(np.sqrt(6.0 / (HIDDEN + OUT_DIM)))
    W0 = jax.random.uniform(k3, (D_FEAT, HIDDEN), dtype=jnp.float32, minval=-s0, maxval=s0)
    W1 = jax.random.uniform(k4, (HIDDEN, OUT_DIM), dtype=jnp.float32, minval=-s1, maxval=s1)
    return {"x": x, "edge_index": edge_index, "W0": W0, "W1": W1}


def reference(x, edge_index, W0, W1):
    # 2-layer GCN (multi_data branch):
    #   H1  = relu(A @ (X @ W0))
    #   out = A @ (H1 @ W1)
    # Sparse adjacency A is represented as edge_index [2, E]; A @ Z is a
    # gather over src nodes followed by a scatter-add (segment_sum) over dst.
    src = edge_index[0]
    dst = edge_index[1]

    def graph_conv(h, W):
        hw = jnp.dot(h, W)                     # dense transform X @ W
        msg = jnp.take(hw, src, axis=0)        # gather per-edge messages
        agg = jax.ops.segment_sum(msg, dst, num_segments=h.shape[0])  # scatter-add
        return agg

    h1 = jax.nn.relu(graph_conv(x, W0))
    out = graph_conv(h1, W1)  # final layer act = identity
    return out

if __name__ == "__main__":
    import jax
    _d = setup_inputs()
    print(jax.jit(kernel)(*tuple(_d.values())))

</pallas_src>

<mosaic_0001>
#map = affine_map<(d0, d1) -> (0, 0)>
#map1 = affine_map<(d0, d1) -> (0, 0, 0)>
module attributes {stable_mosaic.version = 14 : i64} {
  func.func @agg(%arg0: i32, %arg1: i32, %arg2: memref<10000x16xf32, #tpu.memory_space<hbm>>, %arg3: memref<8000x40xi32, #tpu.memory_space<hbm>>, %arg4: memref<8000x40xi32, #tpu.memory_space<hbm>>, %arg5: memref<10000x16xf32, #tpu.memory_space<hbm>>, %arg6: memref<2x10000x16xf32, #tpu.memory_space<hbm>>, %arg7: memref<250x40xi32, #tpu.memory_space<vmem>>, %arg8: memref<250x40xi32, #tpu.memory_space<vmem>>, %arg9: memref<40x16xf32, #tpu.memory_space<vmem>>, %arg10: memref<40x16xf32, #tpu.memory_space<vmem>>, %arg11: memref<10000x16xf32, #tpu.memory_space<vmem_shared>>, %arg12: memref<!tpu.dma_semaphore, #tpu.memory_space<semaphore_mem>>) attributes {dimension_semantics = [#tpu.dimension_semantics<core_parallel>, #tpu.dimension_semantics<subcore_parallel>], iteration_bounds = array<i64: 2, 16>, scalar_prefetch = 0 : i64, scratch_operands = 6 : i64, tpu.core_type = #tpu.core_type<sc_vector_subcore>, window_params = [{transform_indices = #map}, {transform_indices = #map}, {transform_indices = #map}, {transform_indices = #map}, {transform_indices = #map1}]} {
    %mul3A = arith.constant 624 : i32
    %mul3A_0 = arith.muli %arg1, %mul3A : i32
    %mul3A_1 = arith.constant 16 : i32
    %mul3A_2 = arith.muli %arg0, %mul3A_1 : i32
    %add3A = arith.addi %mul3A_2, %arg1 : i32
    %mul3A_3 = arith.constant 250 : i32
    %mul3A_4 = arith.muli %add3A, %mul3A_3 : i32
    %dma_start3A = arith.constant 0 : i32
    %dma_start3A_5 = tpu.memref_slice %arg3[%mul3A_4, %dma_start3A] : memref<8000x40xi32, #tpu.memory_space<hbm>> -> memref<250x40xi32, #tpu.memory_space<hbm>>
    %dma_start3A_6 = arith.constant 0 : i32
    %dma_start3A_7 = tpu.memref_slice %arg3[%mul3A_4, %dma_start3A_6] : memref<8000x40xi32, #tpu.memory_space<hbm>> -> memref<250x40xi32, #tpu.memory_space<hbm>>
    tpu.enqueue_dma source(%dma_start3A_7 : memref<250x40xi32, #tpu.memory_space<hbm>>) target(%arg7 : memref<250x40xi32, #tpu.memory_space<vmem>>) target_semaphore(%arg12 : memref<!tpu.dma_semaphore, #tpu.memory_space<semaphore_mem>>)
    %dma_start3A_8 = arith.constant 0 : i32
    %dma_start3A_9 = tpu.memref_slice %arg4[%mul3A_4, %dma_start3A_8] : memref<8000x40xi32, #tpu.memory_space<hbm>> -> memref<250x40xi32, #tpu.memory_space<hbm>>
    %dma_start3A_10 = arith.constant 0 : i32
    %dma_start3A_11 = tpu.memref_slice %arg4[%mul3A_4, %dma_start3A_10] : memref<8000x40xi32, #tpu.memory_space<hbm>> -> memref<250x40xi32, #tpu.memory_space<hbm>>
    tpu.enqueue_dma source(%dma_start3A_11 : memref<250x40xi32, #tpu.memory_space<hbm>>) target(%arg8 : memref<250x40xi32, #tpu.memory_space<vmem>>) target_semaphore(%arg12 : memref<!tpu.dma_semaphore, #tpu.memory_space<semaphore_mem>>)
    "tpu.region"() ({
      %run_scoped3A = tpu.sem_alloc : memref<!tpu.dma_semaphore, #tpu.memory_space<semaphore_mem>>
      %dma_start3A_39 = arith.constant 0 : i32
      %dma_start3A_40 = tpu.memref_slice %arg11[%mul3A_0, %dma_start3A_39] : memref<10000x16xf32, #tpu.memory_space<vmem_shared>> -> memref<624x16xf32, #tpu.memory_space<vmem_shared>>
      %dma_start3A_41 = arith.constant 0 : i32
      %dma_start3A_42 = tpu.memref_slice %arg5[%mul3A_0, %dma_start3A_41] : memref<10000x16xf32, #tpu.memory_space<hbm>> -> memref<624x16xf32, #tpu.memory_space<hbm>>
      tpu.enqueue_dma source(%dma_start3A_42 : memref<624x16xf32, #tpu.memory_space<hbm>>) target(%dma_start3A_40 : memref<624x16xf32, #tpu.memory_space<vmem_shared>>) target_semaphore(%run_scoped3A : memref<!tpu.dma_semaphore, #tpu.memory_space<semaphore_mem>>)
      %dma_wait3A_43 = arith.constant 0 : i32
      %dma_wait3A_44 = tpu.memref_slice %arg11[%mul3A_0, %dma_wait3A_43] : memref<10000x16xf32, #tpu.memory_space<vmem_shared>> -> memref<624x16xf32, #tpu.memory_space<vmem_shared>>
      %dma_wait3A_45 = arith.constant 0 : i32
      %dma_wait3A_46 = tpu.memref_slice %arg5[%mul3A_0, %dma_wait3A_45] : memref<10000x16xf32, #tpu.memory_space<hbm>> -> memref<624x16xf32, #tpu.memory_space<hbm>>
      tpu.wait_dma2 semaphore(%run_scoped3A : memref<!tpu.dma_semaphore, #tpu.memory_space<semaphore_mem>>) src(%dma_wait3A_46 : memref<624x16xf32, #tpu.memory_space<hbm>>) dst(%dma_wait3A_44 : memref<624x16xf32, #tpu.memory_space<vmem_shared>>)
      tpu.yield
    }) : () -> ()
    %eq3A = arith.constant 15 : i32
    %eq3A_12 = arith.cmpi eq, %arg1, %eq3A : i32
    %convert_element_type3A = arith.extui %eq3A_12 : i1 to i32
    %cond3A = arith.constant 0 : i32
    %cond3A_13 = arith.cmpi ne, %convert_element_type3A, %cond3A : i32
    scf.if %cond3A_13 {
      "tpu.region"() ({
        %run_scoped3A = tpu.sem_alloc : memref<!tpu.dma_semaphore, #tpu.memory_space<semaphore_mem>>
        %dma_start3A_39 = arith.constant 9984 : i32
        %dma_start3A_40 = arith.constant 0 : i32
        %dma_start3A_41 = tpu.memref_slice %arg11[%dma_start3A_39, %dma_start3A_40] : memref<10000x16xf32, #tpu.memory_space<vmem_shared>> -> memref<16x16xf32, #tpu.memory_space<vmem_shared>>
        %dma_start3A_42 = arith.constant 9984 : i32
        %dma_start3A_43 = arith.constant 0 : i32
        %dma_start3A_44 = tpu.memref_slice %arg5[%dma_start3A_42, %dma_start3A_43] : memref<10000x16xf32, #tpu.memory_space<hbm>> -> memref<16x16xf32, #tpu.memory_space<hbm>>
        tpu.enqueue_dma source(%dma_start3A_44 : memref<16x16xf32, #tpu.memory_space<hbm>>) target(%dma_start3A_41 : memref<16x16xf32, #tpu.memory_space<vmem_shared>>) target_semaphore(%run_scoped3A : memref<!tpu.dma_semaphore, #tpu.memory_space<semaphore_mem>>)
        %dma_wait3A_45 = arith.constant 9984 : i32
        %dma_wait3A_46 = arith.constant 0 : i32
        %dma_wait3A_47 = tpu.memref_slice %arg11[%dma_wait3A_45, %dma_wait3A_46] : memref<10000x16xf32, #tpu.memory_space<vmem_shared>> -> memref<16x16xf32, #tpu.memory_space<vmem_shared>>
        %dma_wait3A_48 = arith.constant 9984 : i32
        %dma_wait3A_49 = arith.constant 0 : i32
        %dma_wait3A_50 = tpu.memref_slice %arg5[%dma_wait3A_48, %dma_wait3A_49] : memref<10000x16xf32, #tpu.memory_space<hbm>> -> memref<16x16xf32, #tpu.memory_space<hbm>>
        tpu.wait_dma2 semaphore(%run_scoped3A : memref<!tpu.dma_semaphore, #tpu.memory_space<semaphore_mem>>) src(%dma_wait3A_50 : memref<16x16xf32, #tpu.memory_space<hbm>>) dst(%dma_wait3A_47 : memref<16x16xf32, #tpu.memory_space<vmem_shared>>)
        tpu.yield
      }) : () -> ()
    } else {
    }
    %dma_wait3A = arith.constant 0 : i32
    %dma_wait3A_14 = tpu.memref_slice %arg3[%mul3A_4, %dma_wait3A] : memref<8000x40xi32, #tpu.memory_space<hbm>> -> memref<250x40xi32, #tpu.memory_space<hbm>>
    %dma_wait3A_15 = arith.constant 0 : i32
    %dma_wait3A_16 = tpu.memref_slice %arg3[%mul3A_4, %dma_wait3A_15] : memref<8000x40xi32, #tpu.memory_space<hbm>> -> memref<250x40xi32, #tpu.memory_space<hbm>>
    tpu.wait_dma2 semaphore(%arg12 : memref<!tpu.dma_semaphore, #tpu.memory_space<semaphore_mem>>) src(%dma_wait3A_16 : memref<250x40xi32, #tpu.memory_space<hbm>>) dst(%arg7 : memref<250x40xi32, #tpu.memory_space<vmem>>)
    %dma_wait3A_17 = arith.constant 0 : i32
    %dma_wait3A_18 = tpu.memref_slice %arg4[%mul3A_4, %dma_wait3A_17] : memref<8000x40xi32, #tpu.memory_space<hbm>> -> memref<250x40xi32, #tpu.memory_space<hbm>>
    %dma_wait3A_19 = arith.constant 0 : i32
    %dma_wait3A_20 = tpu.memref_slice %arg4[%mul3A_4, %dma_wait3A_19] : memref<8000x40xi32, #tpu.memory_space<hbm>> -> memref<250x40xi32, #tpu.memory_space<hbm>>
    tpu.wait_dma2 semaphore(%arg12 : memref<!tpu.dma_semaphore, #tpu.memory_space<semaphore_mem>>) src(%dma_wait3A_20 : memref<250x40xi32, #tpu.memory_space<hbm>>) dst(%arg8 : memref<250x40xi32, #tpu.memory_space<vmem>>)
    %barrier3A = arith.constant 0 : index
    tpu.barrier barrier_id(%barrier3A)
    %dma_start3A_21 = arith.constant 0 : i32
    %dma_start3A_22 = arith.constant 0 : i32
    %dma_start3A_23 = tpu.memref_slice %arg7[%dma_start3A_21, %dma_start3A_22] : memref<250x40xi32, #tpu.memory_space<vmem>> -> memref<1x40xi32, #tpu.memory_space<vmem>>
    %dma_start3A_24 = tpu.memref_squeeze %dma_start3A_23 : memref<1x40xi32, #tpu.memory_space<vmem>> -> memref<40xi32, #tpu.memory_space<vmem>>
    %dma_start3A_25 = arith.constant 0 : i32
    %dma_start3A_26 = arith.constant 0 : i32
    %dma_start3A_27 = tpu.memref_slice %arg2[%dma_start3A_25, %dma_start3A_26] : memref<10000x16xf32, #tpu.memory_space<hbm>> -> memref<10000x16xf32, #tpu.memory_space<hbm>>
    tpu.enqueue_indirect_dma source(%dma_start3A_27 : memref<10000x16xf32, #tpu.memory_space<hbm>>) target(%arg9 : memref<40x16xf32, #tpu.memory_space<vmem>>) offsets(%dma_start3A_24 : memref<40xi32, #tpu.memory_space<vmem>>) semaphore(%arg12 : memref<!tpu.dma_semaphore, #tpu.memory_space<semaphore_mem>>)
    %scan3A = arith.constant 0 : i32
    %scan3A_28 = arith.constant 0 : i32
    %scan3A_29 = arith.constant 125 : i32
    %scan3A_30 = arith.addi %scan3A_28, %scan3A_29 : i32
    %scan3A_31 = arith.constant 1 : i32
    scf.for %scan3A_39 = %scan3A_28 to %scan3A_30 step %scan3A_31  : i32 {
      %mul3A_40 = arith.constant 2 : i32
      %mul3A_41 = arith.muli %mul3A_40, %scan3A_39 : i32
      %add3A_42 = arith.constant 0 : i32
      %add3A_43 = arith.addi %mul3A_41, %add3A_42 : i32
      %dma_wait3A_44 = arith.constant 0 : i32
      %dma_wait3A_45 = tpu.memref_slice %arg7[%add3A_43, %dma_wait3A_44] : memref<250x40xi32, #tpu.memory_space<vmem>> -> memref<1x40xi32, #tpu.memory_space<vmem>>
      %dma_wait3A_46 = tpu.memref_squeeze %dma_wait3A_45 : memref<1x40xi32, #tpu.memory_space<vmem>> -> memref<40xi32, #tpu.memory_space<vmem>>
      %dma_wait3A_47 = arith.constant 0 : i32
      %dma_wait3A_48 = arith.constant 0 : i32
      %dma_wait3A_49 = tpu.memref_slice %arg2[%dma_wait3A_47, %dma_wait3A_48] : memref<10000x16xf32, #tpu.memory_space<hbm>> -> memref<10000x16xf32, #tpu.memory_space<hbm>>
      tpu.wait_indirect_dma semaphore(%arg12 : memref<!tpu.dma_semaphore, #tpu.memory_space<semaphore_mem>>) src(%dma_wait3A_49 : memref<10000x16xf32, #tpu.memory_space<hbm>>) dst(%arg9 : memref<40x16xf32, #tpu.memory_space<vmem>>)
      %lt3A = arith.constant 249 : i32
      %lt3A_50 = arith.cmpi slt, %add3A_43, %lt3A : i32
      %convert_element_type3A_51 = arith.extui %lt3A_50 : i1 to i32
      %cond3A_52 = arith.constant 0 : i32
      %cond3A_53 = arith.cmpi ne, %convert_element_type3A_51, %cond3A_52 : i32
      scf.if %cond3A_53 {
        %add3A_69 = arith.constant 1 : i32
        %add3A_70 = arith.addi %add3A_43, %add3A_69 : i32
        %dma_start3A_71 = arith.constant 0 : i32
        %dma_start3A_72 = tpu.memref_slice %arg7[%add3A_70, %dma_start3A_71] : memref<250x40xi32, #tpu.memory_space<vmem>> -> memref<1x40xi32, #tpu.memory_space<vmem>>
        %dma_start3A_73 = tpu.memref_squeeze %dma_start3A_72 : memref<1x40xi32, #tpu.memory_space<vmem>> -> memref<40xi32, #tpu.memory_space<vmem>>
        %dma_start3A_74 = arith.constant 0 : i32
        %dma_start3A_75 = arith.constant 0 : i32
        %dma_start3A_76 = tpu.memref_slice %arg2[%dma_start3A_74, %dma_start3A_75] : memref<10000x16xf32, #tpu.memory_space<hbm>> -> memref<10000x16xf32, #tpu.memory_space<hbm>>
        tpu.enqueue_indirect_dma source(%dma_start3A_76 : memref<10000x16xf32, #tpu.memory_space<hbm>>) target(%arg10 : memref<40x16xf32, #tpu.memory_space<vmem>>) offsets(%dma_start3A_73 : memref<40xi32, #tpu.memory_space<vmem>>) semaphore(%arg12 : memref<!tpu.dma_semaphore, #tpu.memory_space<semaphore_mem>>)
      } else {
      }
      "tpu.region"() ({
        %run_scoped3A = tpu.sem_alloc : memref<!tpu.dma_semaphore, #tpu.memory_space<semaphore_mem>>
        %dma_start3A_69 = arith.constant 0 : i32
        %dma_start3A_70 = tpu.memref_slice %arg8[%add3A_43, %dma_start3A_69] : memref<250x40xi32, #tpu.memory_space<vmem>> -> memref<1x40xi32, #tpu.memory_space<vmem>>
        %dma_start3A_71 = tpu.memref_squeeze %dma_start3A_70 : memref<1x40xi32, #tpu.memory_space<vmem>> -> memref<40xi32, #tpu.memory_space<vmem>>
        %dma_start3A_72 = arith.constant 0 : i32
        %dma_start3A_73 = arith.constant 0 : i32
        %dma_start3A_74 = tpu.memref_slice %arg11[%dma_start3A_72, %dma_start3A_73] : memref<10000x16xf32, #tpu.memory_space<vmem_shared>> -> memref<10000x16xf32, #tpu.memory_space<vmem_shared>>
        tpu.enqueue_indirect_dma source(%arg9 : memref<40x16xf32, #tpu.memory_space<vmem>>) target(%dma_start3A_74 : memref<10000x16xf32, #tpu.memory_space<vmem_shared>>) offsets(%dma_start3A_71 : memref<40xi32, #tpu.memory_space<vmem>>) semaphore(%run_scoped3A : memref<!tpu.dma_semaphore, #tpu.memory_space<semaphore_mem>>) {add = true}
        %dma_wait3A_75 = arith.constant 0 : i32
        %dma_wait3A_76 = tpu.memref_slice %arg8[%add3A_43, %dma_wait3A_75] : memref<250x40xi32, #tpu.memory_space<vmem>> -> memref<1x40xi32, #tpu.memory_space<vmem>>
        %dma_wait3A_77 = tpu.memref_squeeze %dma_wait3A_76 : memref<1x40xi32, #tpu.memory_space<vmem>> -> memref<40xi32, #tpu.memory_space<vmem>>
        %dma_wait3A_78 = arith.constant 0 : i32
        %dma_wait3A_79 = arith.constant 0 : i32
        %dma_wait3A_80 = tpu.memref_slice %arg11[%dma_wait3A_78, %dma_wait3A_79] : memref<10000x16xf32, #tpu.memory_space<vmem_shared>> -> memref<10000x16xf32, #tpu.memory_space<vmem_shared>>
        tpu.wait_indirect_dma semaphore(%run_scoped3A : memref<!tpu.dma_semaphore, #tpu.memory_space<semaphore_mem>>) src(%arg9 : memref<40x16xf32, #tpu.memory_space<vmem>>) dst(%dma_wait3A_80 : memref<10000x16xf32, #tpu.memory_space<vmem_shared>>)
        tpu.yield
      }) : () -> ()
      %mul3A_54 = arith.constant 2 : i32
      %mul3A_55 = arith.muli %mul3A_54, %scan3A_39 : i32
      %add3A_56 = arith.constant 1 : i32
      %add3A_57 = arith.addi %mul3A_55, %add3A_56 : i32
      %dma_wait3A_58 = arith.constant 0 : i32
      %dma_wait3A_59 = tpu.memref_slice %arg7[%add3A_57, %dma_wait3A_58] : memref<250x40xi32, #tpu.memory_space<vmem>> -> memref<1x40xi32, #tpu.memory_space<vmem>>
      %dma_wait3A_60 = tpu.memref_squeeze %dma_wait3A_59 : memref<1x40xi32, #tpu.memory_space<vmem>> -> memref<40xi32, #tpu.memory_space<vmem>>
      %dma_wait3A_61 = arith.constant 0 : i32
      %dma_wait3A_62 = arith.constant 0 : i32
      %dma_wait3A_63 = tpu.memref_slice %arg2[%dma_wait3A_61, %dma_wait3A_62] : memref<10000x16xf32, #tpu.memory_space<hbm>> -> memref<10000x16xf32, #tpu.memory_space<hbm>>
      tpu.wait_indirect_dma semaphore(%arg12 : memref<!tpu.dma_semaphore, #tpu.memory_space<semaphore_mem>>) src(%dma_wait3A_63 : memref<10000x16xf32, #tpu.memory_space<hbm>>) dst(%arg10 : memref<40x16xf32, #tpu.memory_space<vmem>>)
      %lt3A_64 = arith.constant 249 : i32
      %lt3A_65 = arith.cmpi slt, %add3A_57, %lt3A_64 : i32
      %convert_element_type3A_66 = arith.extui %lt3A_65 : i1 to i32
      %cond3A_67 = arith.constant 0 : i32
      %cond3A_68 = arith.cmpi ne, %convert_element_type3A_66, %cond3A_67 : i32
      scf.if %cond3A_68 {
        %add3A_69 = arith.constant 1 : i32
        %add3A_70 = arith.addi %add3A_57, %add3A_69 : i32
        %dma_start3A_71 = arith.constant 0 : i32
        %dma_start3A_72 = tpu.memref_slice %arg7[%add3A_70, %dma_start3A_71] : memref<250x40xi32, #tpu.memory_space<vmem>> -> memref<1x40xi32, #tpu.memory_space<vmem>>
        %dma_start3A_73 = tpu.memref_squeeze %dma_start3A_72 : memref<1x40xi32, #tpu.memory_space<vmem>> -> memref<40xi32, #tpu.memory_space<vmem>>
        %dma_start3A_74 = arith.constant 0 : i32
        %dma_start3A_75 = arith.constant 0 : i32
        %dma_start3A_76 = tpu.memref_slice %arg2[%dma_start3A_74, %dma_start3A_75] : memref<10000x16xf32, #tpu.memory_space<hbm>> -> memref<10000x16xf32, #tpu.memory_space<hbm>>
        tpu.enqueue_indirect_dma source(%dma_start3A_76 : memref<10000x16xf32, #tpu.memory_space<hbm>>) target(%arg9 : memref<40x16xf32, #tpu.memory_space<vmem>>) offsets(%dma_start3A_73 : memref<40xi32, #tpu.memory_space<vmem>>) semaphore(%arg12 : memref<!tpu.dma_semaphore, #tpu.memory_space<semaphore_mem>>)
      } else {
      }
      "tpu.region"() ({
        %run_scoped3A = tpu.sem_alloc : memref<!tpu.dma_semaphore, #tpu.memory_space<semaphore_mem>>
        %dma_start3A_69 = arith.constant 0 : i32
        %dma_start3A_70 = tpu.memref_slice %arg8[%add3A_57, %dma_start3A_69] : memref<250x40xi32, #tpu.memory_space<vmem>> -> memref<1x40xi32, #tpu.memory_space<vmem>>
        %dma_start3A_71 = tpu.memref_squeeze %dma_start3A_70 : memref<1x40xi32, #tpu.memory_space<vmem>> -> memref<40xi32, #tpu.memory_space<vmem>>
        %dma_start3A_72 = arith.constant 0 : i32
        %dma_start3A_73 = arith.constant 0 : i32
        %dma_start3A_74 = tpu.memref_slice %arg11[%dma_start3A_72, %dma_start3A_73] : memref<10000x16xf32, #tpu.memory_space<vmem_shared>> -> memref<10000x16xf32, #tpu.memory_space<vmem_shared>>
        tpu.enqueue_indirect_dma source(%arg10 : memref<40x16xf32, #tpu.memory_space<vmem>>) target(%dma_start3A_74 : memref<10000x16xf32, #tpu.memory_space<vmem_shared>>) offsets(%dma_start3A_71 : memref<40xi32, #tpu.memory_space<vmem>>) semaphore(%run_scoped3A : memref<!tpu.dma_semaphore, #tpu.memory_space<semaphore_mem>>) {add = true}
        %dma_wait3A_75 = arith.constant 0 : i32
        %dma_wait3A_76 = tpu.memref_slice %arg8[%add3A_57, %dma_wait3A_75] : memref<250x40xi32, #tpu.memory_space<vmem>> -> memref<1x40xi32, #tpu.memory_space<vmem>>
        %dma_wait3A_77 = tpu.memref_squeeze %dma_wait3A_76 : memref<1x40xi32, #tpu.memory_space<vmem>> -> memref<40xi32, #tpu.memory_space<vmem>>
        %dma_wait3A_78 = arith.constant 0 : i32
        %dma_wait3A_79 = arith.constant 0 : i32
        %dma_wait3A_80 = tpu.memref_slice %arg11[%dma_wait3A_78, %dma_wait3A_79] : memref<10000x16xf32, #tpu.memory_space<vmem_shared>> -> memref<10000x16xf32, #tpu.memory_space<vmem_shared>>
        tpu.wait_indirect_dma semaphore(%run_scoped3A : memref<!tpu.dma_semaphore, #tpu.memory_space<semaphore_mem>>) src(%arg10 : memref<40x16xf32, #tpu.memory_space<vmem>>) dst(%dma_wait3A_80 : memref<10000x16xf32, #tpu.memory_space<vmem_shared>>)
        tpu.yield
      }) : () -> ()
    }
    %scan3A_32 = arith.constant 125 : i32
    %barrier3A_33 = arith.constant 0 : index
    tpu.barrier barrier_id(%barrier3A_33)
    "tpu.region"() ({
      %run_scoped3A = tpu.sem_alloc : memref<!tpu.dma_semaphore, #tpu.memory_space<semaphore_mem>>
      %dma_start3A_39 = arith.constant 0 : i32
      %dma_start3A_40 = tpu.memref_slice %arg6[%arg0, %mul3A_0, %dma_start3A_39] : memref<2x10000x16xf32, #tpu.memory_space<hbm>> -> memref<1x624x16xf32, #tpu.memory_space<hbm>>
      %dma_start3A_41 = tpu.memref_squeeze %dma_start3A_40 : memref<1x624x16xf32, #tpu.memory_space<hbm>> -> memref<624x16xf32, #tpu.memory_space<hbm>>
      %dma_start3A_42 = arith.constant 0 : i32
      %dma_start3A_43 = tpu.memref_slice %arg11[%mul3A_0, %dma_start3A_42] : memref<10000x16xf32, #tpu.memory_space<vmem_shared>> -> memref<624x16xf32, #tpu.memory_space<vmem_shared>>
      tpu.enqueue_dma source(%dma_start3A_43 : memref<624x16xf32, #tpu.memory_space<vmem_shared>>) target(%dma_start3A_41 : memref<624x16xf32, #tpu.memory_space<hbm>>) target_semaphore(%run_scoped3A : memref<!tpu.dma_semaphore, #tpu.memory_space<semaphore_mem>>)
      %dma_wait3A_44 = arith.constant 0 : i32
      %dma_wait3A_45 = tpu.memref_slice %arg6[%arg0, %mul3A_0, %dma_wait3A_44] : memref<2x10000x16xf32, #tpu.memory_space<hbm>> -> memref<1x624x16xf32, #tpu.memory_space<hbm>>
      %dma_wait3A_46 = tpu.memref_squeeze %dma_wait3A_45 : memref<1x624x16xf32, #tpu.memory_space<hbm>> -> memref<624x16xf32, #tpu.memory_space<hbm>>
      %dma_wait3A_47 = arith.constant 0 : i32
      %dma_wait3A_48 = tpu.memref_slice %arg11[%mul3A_0, %dma_wait3A_47] : memref<10000x16xf32, #tpu.memory_space<vmem_shared>> -> memref<624x16xf32, #tpu.memory_space<vmem_shared>>
      tpu.wait_dma2 semaphore(%run_scoped3A : memref<!tpu.dma_semaphore, #tpu.memory_space<semaphore_mem>>) src(%dma_wait3A_48 : memref<624x16xf32, #tpu.memory_space<vmem_shared>>) dst(%dma_wait3A_46 : memref<624x16xf32, #tpu.memory_space<hbm>>)
      tpu.yield
    }) : () -> ()
    %eq3A_34 = arith.constant 15 : i32
    %eq3A_35 = arith.cmpi eq, %arg1, %eq3A_34 : i32
    %convert_element_type3A_36 = arith.extui %eq3A_35 : i1 to i32
    %cond3A_37 = arith.constant 0 : i32
    %cond3A_38 = arith.cmpi ne, %convert_element_type3A_36, %cond3A_37 : i32
    scf.if %cond3A_38 {
      "tpu.region"() ({
        %run_scoped3A = tpu.sem_alloc : memref<!tpu.dma_semaphore, #tpu.memory_space<semaphore_mem>>
        %dma_start3A_39 = arith.constant 9984 : i32
        %dma_start3A_40 = arith.constant 0 : i32
        %dma_start3A_41 = tpu.memref_slice %arg6[%arg0, %dma_start3A_39, %dma_start3A_40] : memref<2x10000x16xf32, #tpu.memory_space<hbm>> -> memref<1x16x16xf32, #tpu.memory_space<hbm>>
        %dma_start3A_42 = tpu.memref_squeeze %dma_start3A_41 : memref<1x16x16xf32, #tpu.memory_space<hbm>> -> memref<16x16xf32, #tpu.memory_space<hbm>>
        %dma_start3A_43 = arith.constant 9984 : i32
        %dma_start3A_44 = arith.constant 0 : i32
        %dma_start3A_45 = tpu.memref_slice %arg11[%dma_start3A_43, %dma_start3A_44] : memref<10000x16xf32, #tpu.memory_space<vmem_shared>> -> memref<16x16xf32, #tpu.memory_space<vmem_shared>>
        tpu.enqueue_dma source(%dma_start3A_45 : memref<16x16xf32, #tpu.memory_space<vmem_shared>>) target(%dma_start3A_42 : memref<16x16xf32, #tpu.memory_space<hbm>>) target_semaphore(%run_scoped3A : memref<!tpu.dma_semaphore, #tpu.memory_space<semaphore_mem>>)
        %dma_wait3A_46 = arith.constant 9984 : i32
        %dma_wait3A_47 = arith.constant 0 : i32
        %dma_wait3A_48 = tpu.memref_slice %arg6[%arg0, %dma_wait3A_46, %dma_wait3A_47] : memref<2x10000x16xf32, #tpu.memory_space<hbm>> -> memref<1x16x16xf32, #tpu.memory_space<hbm>>
        %dma_wait3A_49 = tpu.memref_squeeze %dma_wait3A_48 : memref<1x16x16xf32, #tpu.memory_space<hbm>> -> memref<16x16xf32, #tpu.memory_space<hbm>>
        %dma_wait3A_50 = arith.constant 9984 : i32
        %dma_wait3A_51 = arith.constant 0 : i32
        %dma_wait3A_52 = tpu.memref_slice %arg11[%dma_wait3A_50, %dma_wait3A_51] : memref<10000x16xf32, #tpu.memory_space<vmem_shared>> -> memref<16x16xf32, #tpu.memory_space<vmem_shared>>
        tpu.wait_dma2 semaphore(%run_scoped3A : memref<!tpu.dma_semaphore, #tpu.memory_space<semaphore_mem>>) src(%dma_wait3A_52 : memref<16x16xf32, #tpu.memory_space<vmem_shared>>) dst(%dma_wait3A_49 : memref<16x16xf32, #tpu.memory_space<hbm>>)
        tpu.yield
      }) : () -> ()
    } else {
    }
    return
  }
}

#map = affine_map<(d0, d1) -> (0, 0)>
#map1 = affine_map<(d0, d1) -> (0, 0, 0)>
module attributes {stable_mosaic.version = 14 : i64} {
  func.func @agg(%arg0: i32, %arg1: i32, %arg2: memref<10000x112xf32, #tpu.memory_space<hbm>>, %arg3: memref<8000x40xi32, #tpu.memory_space<hbm>>, %arg4: memref<8000x40xi32, #tpu.memory_space<hbm>>, %arg5: memref<10000x112xf32, #tpu.memory_space<hbm>>, %arg6: memref<2x10000x112xf32, #tpu.memory_space<hbm>>, %arg7: memref<250x40xi32, #tpu.memory_space<vmem>>, %arg8: memref<250x40xi32, #tpu.memory_space<vmem>>, %arg9: memref<40x112xf32, #tpu.memory_space<vmem>>, %arg10: memref<40x112xf32, #tpu.memory_space<vmem>>, %arg11: memref<10000x112xf32, #tpu.memory_space<vmem_shared>>, %arg12: memref<!tpu.dma_semaphore, #tpu.memory_space<semaphore_mem>>) attributes {dimension_semantics = [#tpu.dimension_semantics<core_parallel>, #tpu.dimension_semantics<subcore_parallel>], iteration_bounds = array<i64: 2, 16>, scalar_prefetch = 0 : i64, scratch_operands = 6 : i64, tpu.core_type = #tpu.core_type<sc_vector_subcore>, window_params = [{transform_indices = #map}, {transform_indices = #map}, {transform_indices = #map}, {transform_indices = #map}, {transform_indices = #map1}]} {
    %mul3A = arith.constant 624 : i32
    %mul3A_0 = arith.muli %arg1, %mul3A : i32
    %mul3A_1 = arith.constant 16 : i32
    %mul3A_2 = arith.muli %arg0, %mul3A_1 : i32
    %add3A = arith.addi %mul3A_2, %arg1 : i32
    %mul3A_3 = arith.constant 250 : i32
    %mul3A_4 = arith.muli %add3A, %mul3A_3 : i32
    %dma_start3A = arith.constant 0 : i32
    %dma_start3A_5 = tpu.memref_slice %arg3[%mul3A_4, %dma_start3A] : memref<8000x40xi32, #tpu.memory_space<hbm>> -> memref<250x40xi32, #tpu.memory_space<hbm>>
    %dma_start3A_6 = arith.constant 0 : i32
    %dma_start3A_7 = tpu.memref_slice %arg3[%mul3A_4, %dma_start3A_6] : memref<8000x40xi32, #tpu.memory_space<hbm>> -> memref<250x40xi32, #tpu.memory_space<hbm>>
    tpu.enqueue_dma source(%dma_start3A_7 : memref<250x40xi32, #tpu.memory_space<hbm>>) target(%arg7 : memref<250x40xi32, #tpu.memory_space<vmem>>) target_semaphore(%arg12 : memref<!tpu.dma_semaphore, #tpu.memory_space<semaphore_mem>>)
    %dma_start3A_8 = arith.constant 0 : i32
    %dma_start3A_9 = tpu.memref_slice %arg4[%mul3A_4, %dma_start3A_8] : memref<8000x40xi32, #tpu.memory_space<hbm>> -> memref<250x40xi32, #tpu.memory_space<hbm>>
    %dma_start3A_10 = arith.constant 0 : i32
    %dma_start3A_11 = tpu.memref_slice %arg4[%mul3A_4, %dma_start3A_10] : memref<8000x40xi32, #tpu.memory_space<hbm>> -> memref<250x40xi32, #tpu.memory_space<hbm>>
    tpu.enqueue_dma source(%dma_start3A_11 : memref<250x40xi32, #tpu.memory_space<hbm>>) target(%arg8 : memref<250x40xi32, #tpu.memory_space<vmem>>) target_semaphore(%arg12 : memref<!tpu.dma_semaphore, #tpu.memory_space<semaphore_mem>>)
    "tpu.region"() ({
      %run_scoped3A = tpu.sem_alloc : memref<!tpu.dma_semaphore, #tpu.memory_space<semaphore_mem>>
      %dma_start3A_39 = arith.constant 0 : i32
      %dma_start3A_40 = tpu.memref_slice %arg11[%mul3A_0, %dma_start3A_39] : memref<10000x112xf32, #tpu.memory_space<vmem_shared>> -> memref<624x112xf32, #tpu.memory_space<vmem_shared>>
      %dma_start3A_41 = arith.constant 0 : i32
      %dma_start3A_42 = tpu.memref_slice %arg5[%mul3A_0, %dma_start3A_41] : memref<10000x112xf32, #tpu.memory_space<hbm>> -> memref<624x112xf32, #tpu.memory_space<hbm>>
      tpu.enqueue_dma source(%dma_start3A_42 : memref<624x112xf32, #tpu.memory_space<hbm>>) target(%dma_start3A_40 : memref<624x112xf32, #tpu.memory_space<vmem_shared>>) target_semaphore(%run_scoped3A : memref<!tpu.dma_semaphore, #tpu.memory_space<semaphore_mem>>)
      %dma_wait3A_43 = arith.constant 0 : i32
      %dma_wait3A_44 = tpu.memref_slice %arg11[%mul3A_0, %dma_wait3A_43] : memref<10000x112xf32, #tpu.memory_space<vmem_shared>> -> memref<624x112xf32, #tpu.memory_space<vmem_shared>>
      %dma_wait3A_45 = arith.constant 0 : i32
      %dma_wait3A_46 = tpu.memref_slice %arg5[%mul3A_0, %dma_wait3A_45] : memref<10000x112xf32, #tpu.memory_space<hbm>> -> memref<624x112xf32, #tpu.memory_space<hbm>>
      tpu.wait_dma2 semaphore(%run_scoped3A : memref<!tpu.dma_semaphore, #tpu.memory_space<semaphore_mem>>) src(%dma_wait3A_46 : memref<624x112xf32, #tpu.memory_space<hbm>>) dst(%dma_wait3A_44 : memref<624x112xf32, #tpu.memory_space<vmem_shared>>)
      tpu.yield
    }) : () -> ()
    %eq3A = arith.constant 15 : i32
    %eq3A_12 = arith.cmpi eq, %arg1, %eq3A : i32
    %convert_element_type3A = arith.extui %eq3A_12 : i1 to i32
    %cond3A = arith.constant 0 : i32
    %cond3A_13 = arith.cmpi ne, %convert_element_type3A, %cond3A : i32
    scf.if %cond3A_13 {
      "tpu.region"() ({
        %run_scoped3A = tpu.sem_alloc : memref<!tpu.dma_semaphore, #tpu.memory_space<semaphore_mem>>
        %dma_start3A_39 = arith.constant 9984 : i32
        %dma_start3A_40 = arith.constant 0 : i32
        %dma_start3A_41 = tpu.memref_slice %arg11[%dma_start3A_39, %dma_start3A_40] : memref<10000x112xf32, #tpu.memory_space<vmem_shared>> -> memref<16x112xf32, #tpu.memory_space<vmem_shared>>
        %dma_start3A_42 = arith.constant 9984 : i32
        %dma_start3A_43 = arith.constant 0 : i32
        %dma_start3A_44 = tpu.memref_slice %arg5[%dma_start3A_42, %dma_start3A_43] : memref<10000x112xf32, #tpu.memory_space<hbm>> -> memref<16x112xf32, #tpu.memory_space<hbm>>
        tpu.enqueue_dma source(%dma_start3A_44 : memref<16x112xf32, #tpu.memory_space<hbm>>) target(%dma_start3A_41 : memref<16x112xf32, #tpu.memory_space<vmem_shared>>) target_semaphore(%run_scoped3A : memref<!tpu.dma_semaphore, #tpu.memory_space<semaphore_mem>>)
        %dma_wait3A_45 = arith.constant 9984 : i32
        %dma_wait3A_46 = arith.constant 0 : i32
        %dma_wait3A_47 = tpu.memref_slice %arg11[%dma_wait3A_45, %dma_wait3A_46] : memref<10000x112xf32, #tpu.memory_space<vmem_shared>> -> memref<16x112xf32, #tpu.memory_space<vmem_shared>>
        %dma_wait3A_48 = arith.constant 9984 : i32
        %dma_wait3A_49 = arith.constant 0 : i32
        %dma_wait3A_50 = tpu.memref_slice %arg5[%dma_wait3A_48, %dma_wait3A_49] : memref<10000x112xf32, #tpu.memory_space<hbm>> -> memref<16x112xf32, #tpu.memory_space<hbm>>
        tpu.wait_dma2 semaphore(%run_scoped3A : memref<!tpu.dma_semaphore, #tpu.memory_space<semaphore_mem>>) src(%dma_wait3A_50 : memref<16x112xf32, #tpu.memory_space<hbm>>) dst(%dma_wait3A_47 : memref<16x112xf32, #tpu.memory_space<vmem_shared>>)
        tpu.yield
      }) : () -> ()
    } else {
    }
    %dma_wait3A = arith.constant 0 : i32
    %dma_wait3A_14 = tpu.memref_slice %arg3[%mul3A_4, %dma_wait3A] : memref<8000x40xi32, #tpu.memory_space<hbm>> -> memref<250x40xi32, #tpu.memory_space<hbm>>
    %dma_wait3A_15 = arith.constant 0 : i32
    %dma_wait3A_16 = tpu.memref_slice %arg3[%mul3A_4, %dma_wait3A_15] : memref<8000x40xi32, #tpu.memory_space<hbm>> -> memref<250x40xi32, #tpu.memory_space<hbm>>
    tpu.wait_dma2 semaphore(%arg12 : memref<!tpu.dma_semaphore, #tpu.memory_space<semaphore_mem>>) src(%dma_wait3A_16 : memref<250x40xi32, #tpu.memory_space<hbm>>) dst(%arg7 : memref<250x40xi32, #tpu.memory_space<vmem>>)
    %dma_wait3A_17 = arith.constant 0 : i32
    %dma_wait3A_18 = tpu.memref_slice %arg4[%mul3A_4, %dma_wait3A_17] : memref<8000x40xi32, #tpu.memory_space<hbm>> -> memref<250x40xi32, #tpu.memory_space<hbm>>
    %dma_wait3A_19 = arith.constant 0 : i32
    %dma_wait3A_20 = tpu.memref_slice %arg4[%mul3A_4, %dma_wait3A_19] : memref<8000x40xi32, #tpu.memory_space<hbm>> -> memref<250x40xi32, #tpu.memory_space<hbm>>
    tpu.wait_dma2 semaphore(%arg12 : memref<!tpu.dma_semaphore, #tpu.memory_space<semaphore_mem>>) src(%dma_wait3A_20 : memref<250x40xi32, #tpu.memory_space<hbm>>) dst(%arg8 : memref<250x40xi32, #tpu.memory_space<vmem>>)
    %barrier3A = arith.constant 0 : index
    tpu.barrier barrier_id(%barrier3A)
    %dma_start3A_21 = arith.constant 0 : i32
    %dma_start3A_22 = arith.constant 0 : i32
    %dma_start3A_23 = tpu.memref_slice %arg7[%dma_start3A_21, %dma_start3A_22] : memref<250x40xi32, #tpu.memory_space<vmem>> -> memref<1x40xi32, #tpu.memory_space<vmem>>
    %dma_start3A_24 = tpu.memref_squeeze %dma_start3A_23 : memref<1x40xi32, #tpu.memory_space<vmem>> -> memref<40xi32, #tpu.memory_space<vmem>>
    %dma_start3A_25 = arith.constant 0 : i32
    %dma_start3A_26 = arith.constant 0 : i32
    %dma_start3A_27 = tpu.memref_slice %arg2[%dma_start3A_25, %dma_start3A_26] : memref<10000x112xf32, #tpu.memory_space<hbm>> -> memref<10000x112xf32, #tpu.memory_space<hbm>>
    tpu.enqueue_indirect_dma source(%dma_start3A_27 : memref<10000x112xf32, #tpu.memory_space<hbm>>) target(%arg9 : memref<40x112xf32, #tpu.memory_space<vmem>>) offsets(%dma_start3A_24 : memref<40xi32, #tpu.memory_space<vmem>>) semaphore(%arg12 : memref<!tpu.dma_semaphore, #tpu.memory_space<semaphore_mem>>)
    %scan3A = arith.constant 0 : i32
    %scan3A_28 = arith.constant 0 : i32
    %scan3A_29 = arith.constant 125 : i32
    %scan3A_30 = arith.addi %scan3A_28, %scan3A_29 : i32
    %scan3A_31 = arith.constant 1 : i32
    scf.for %scan3A_39 = %scan3A_28 to %scan3A_30 step %scan3A_31  : i32 {
      %mul3A_40 = arith.constant 2 : i32
      %mul3A_41 = arith.muli %mul3A_40, %scan3A_39 : i32
      %add3A_42 = arith.constant 0 : i32
      %add3A_43 = arith.addi %mul3A_41, %add3A_42 : i32
      %dma_wait3A_44 = arith.constant 0 : i32
      %dma_wait3A_45 = tpu.memref_slice %arg7[%add3A_43, %dma_wait3A_44] : memref<250x40xi32, #tpu.memory_space<vmem>> -> memref<1x40xi32, #tpu.memory_space<vmem>>
      %dma_wait3A_46 = tpu.memref_squeeze %dma_wait3A_45 : memref<1x40xi32, #tpu.memory_space<vmem>> -> memref<40xi32, #tpu.memory_space<vmem>>
      %dma_wait3A_47 = arith.constant 0 : i32
      %dma_wait3A_48 = arith.constant 0 : i32
      %dma_wait3A_49 = tpu.memref_slice %arg2[%dma_wait3A_47, %dma_wait3A_48] : memref<10000x112xf32, #tpu.memory_space<hbm>> -> memref<10000x112xf32, #tpu.memory_space<hbm>>
      tpu.wait_indirect_dma semaphore(%arg12 : memref<!tpu.dma_semaphore, #tpu.memory_space<semaphore_mem>>) src(%dma_wait3A_49 : memref<10000x112xf32, #tpu.memory_space<hbm>>) dst(%arg9 : memref<40x112xf32, #tpu.memory_space<vmem>>)
      %lt3A = arith.constant 249 : i32
      %lt3A_50 = arith.cmpi slt, %add3A_43, %lt3A : i32
      %convert_element_type3A_51 = arith.extui %lt3A_50 : i1 to i32
      %cond3A_52 = arith.constant 0 : i32
      %cond3A_53 = arith.cmpi ne, %convert_element_type3A_51, %cond3A_52 : i32
      scf.if %cond3A_53 {
        %add3A_69 = arith.constant 1 : i32
        %add3A_70 = arith.addi %add3A_43, %add3A_69 : i32
        %dma_start3A_71 = arith.constant 0 : i32
        %dma_start3A_72 = tpu.memref_slice %arg7[%add3A_70, %dma_start3A_71] : memref<250x40xi32, #tpu.memory_space<vmem>> -> memref<1x40xi32, #tpu.memory_space<vmem>>
        %dma_start3A_73 = tpu.memref_squeeze %dma_start3A_72 : memref<1x40xi32, #tpu.memory_space<vmem>> -> memref<40xi32, #tpu.memory_space<vmem>>
        %dma_start3A_74 = arith.constant 0 : i32
        %dma_start3A_75 = arith.constant 0 : i32
        %dma_start3A_76 = tpu.memref_slice %arg2[%dma_start3A_74, %dma_start3A_75] : memref<10000x112xf32, #tpu.memory_space<hbm>> -> memref<10000x112xf32, #tpu.memory_space<hbm>>
        tpu.enqueue_indirect_dma source(%dma_start3A_76 : memref<10000x112xf32, #tpu.memory_space<hbm>>) target(%arg10 : memref<40x112xf32, #tpu.memory_space<vmem>>) offsets(%dma_start3A_73 : memref<40xi32, #tpu.memory_space<vmem>>) semaphore(%arg12 : memref<!tpu.dma_semaphore, #tpu.memory_space<semaphore_mem>>)
      } else {
      }
      "tpu.region"() ({
        %run_scoped3A = tpu.sem_alloc : memref<!tpu.dma_semaphore, #tpu.memory_space<semaphore_mem>>
        %dma_start3A_69 = arith.constant 0 : i32
        %dma_start3A_70 = tpu.memref_slice %arg8[%add3A_43, %dma_start3A_69] : memref<250x40xi32, #tpu.memory_space<vmem>> -> memref<1x40xi32, #tpu.memory_space<vmem>>
        %dma_start3A_71 = tpu.memref_squeeze %dma_start3A_70 : memref<1x40xi32, #tpu.memory_space<vmem>> -> memref<40xi32, #tpu.memory_space<vmem>>
        %dma_start3A_72 = arith.constant 0 : i32
        %dma_start3A_73 = arith.constant 0 : i32
        %dma_start3A_74 = tpu.memref_slice %arg11[%dma_start3A_72, %dma_start3A_73] : memref<10000x112xf32, #tpu.memory_space<vmem_shared>> -> memref<10000x112xf32, #tpu.memory_space<vmem_shared>>
        tpu.enqueue_indirect_dma source(%arg9 : memref<40x112xf32, #tpu.memory_space<vmem>>) target(%dma_start3A_74 : memref<10000x112xf32, #tpu.memory_space<vmem_shared>>) offsets(%dma_start3A_71 : memref<40xi32, #tpu.memory_space<vmem>>) semaphore(%run_scoped3A : memref<!tpu.dma_semaphore, #tpu.memory_space<semaphore_mem>>) {add = true}
        %dma_wait3A_75 = arith.constant 0 : i32
        %dma_wait3A_76 = tpu.memref_slice %arg8[%add3A_43, %dma_wait3A_75] : memref<250x40xi32, #tpu.memory_space<vmem>> -> memref<1x40xi32, #tpu.memory_space<vmem>>
        %dma_wait3A_77 = tpu.memref_squeeze %dma_wait3A_76 : memref<1x40xi32, #tpu.memory_space<vmem>> -> memref<40xi32, #tpu.memory_space<vmem>>
        %dma_wait3A_78 = arith.constant 0 : i32
        %dma_wait3A_79 = arith.constant 0 : i32
        %dma_wait3A_80 = tpu.memref_slice %arg11[%dma_wait3A_78, %dma_wait3A_79] : memref<10000x112xf32, #tpu.memory_space<vmem_shared>> -> memref<10000x112xf32, #tpu.memory_space<vmem_shared>>
        tpu.wait_indirect_dma semaphore(%run_scoped3A : memref<!tpu.dma_semaphore, #tpu.memory_space<semaphore_mem>>) src(%arg9 : memref<40x112xf32, #tpu.memory_space<vmem>>) dst(%dma_wait3A_80 : memref<10000x112xf32, #tpu.memory_space<vmem_shared>>)
        tpu.yield
      }) : () -> ()
      %mul3A_54 = arith.constant 2 : i32
      %mul3A_55 = arith.muli %mul3A_54, %scan3A_39 : i32
      %add3A_56 = arith.constant 1 : i32
      %add3A_57 = arith.addi %mul3A_55, %add3A_56 : i32
      %dma_wait3A_58 = arith.constant 0 : i32
      %dma_wait3A_59 = tpu.memref_slice %arg7[%add3A_57, %dma_wait3A_58] : memref<250x40xi32, #tpu.memory_space<vmem>> -> memref<1x40xi32, #tpu.memory_space<vmem>>
      %dma_wait3A_60 = tpu.memref_squeeze %dma_wait3A_59 : memref<1x40xi32, #tpu.memory_space<vmem>> -> memref<40xi32, #tpu.memory_space<vmem>>
      %dma_wait3A_61 = arith.constant 0 : i32
      %dma_wait3A_62 = arith.constant 0 : i32
      %dma_wait3A_63 = tpu.memref_slice %arg2[%dma_wait3A_61, %dma_wait3A_62] : memref<10000x112xf32, #tpu.memory_space<hbm>> -> memref<10000x112xf32, #tpu.memory_space<hbm>>
      tpu.wait_indirect_dma semaphore(%arg12 : memref<!tpu.dma_semaphore, #tpu.memory_space<semaphore_mem>>) src(%dma_wait3A_63 : memref<10000x112xf32, #tpu.memory_space<hbm>>) dst(%arg10 : memref<40x112xf32, #tpu.memory_space<vmem>>)
      %lt3A_64 = arith.constant 249 : i32
      %lt3A_65 = arith.cmpi slt, %add3A_57, %lt3A_64 : i32
      %convert_element_type3A_66 = arith.extui %lt3A_65 : i1 to i32
      %cond3A_67 = arith.constant 0 : i32
      %cond3A_68 = arith.cmpi ne, %convert_element_type3A_66, %cond3A_67 : i32
      scf.if %cond3A_68 {
        %add3A_69 = arith.constant 1 : i32
        %add3A_70 = arith.addi %add3A_57, %add3A_69 : i32
        %dma_start3A_71 = arith.constant 0 : i32
        %dma_start3A_72 = tpu.memref_slice %arg7[%add3A_70, %dma_start3A_71] : memref<250x40xi32, #tpu.memory_space<vmem>> -> memref<1x40xi32, #tpu.memory_space<vmem>>
        %dma_start3A_73 = tpu.memref_squeeze %dma_start3A_72 : memref<1x40xi32, #tpu.memory_space<vmem>> -> memref<40xi32, #tpu.memory_space<vmem>>
        %dma_start3A_74 = arith.constant 0 : i32
        %dma_start3A_75 = arith.constant 0 : i32
        %dma_start3A_76 = tpu.memref_slice %arg2[%dma_start3A_74, %dma_start3A_75] : memref<10000x112xf32, #tpu.memory_space<hbm>> -> memref<10000x112xf32, #tpu.memory_space<hbm>>
        tpu.enqueue_indirect_dma source(%dma_start3A_76 : memref<10000x112xf32, #tpu.memory_space<hbm>>) target(%arg9 : memref<40x112xf32, #tpu.memory_space<vmem>>) offsets(%dma_start3A_73 : memref<40xi32, #tpu.memory_space<vmem>>) semaphore(%arg12 : memref<!tpu.dma_semaphore, #tpu.memory_space<semaphore_mem>>)
      } else {
      }
      "tpu.region"() ({
        %run_scoped3A = tpu.sem_alloc : memref<!tpu.dma_semaphore, #tpu.memory_space<semaphore_mem>>
        %dma_start3A_69 = arith.constant 0 : i32
        %dma_start3A_70 = tpu.memref_slice %arg8[%add3A_57, %dma_start3A_69] : memref<250x40xi32, #tpu.memory_space<vmem>> -> memref<1x40xi32, #tpu.memory_space<vmem>>
        %dma_start3A_71 = tpu.memref_squeeze %dma_start3A_70 : memref<1x40xi32, #tpu.memory_space<vmem>> -> memref<40xi32, #tpu.memory_space<vmem>>
        %dma_start3A_72 = arith.constant 0 : i32
        %dma_start3A_73 = arith.constant 0 : i32
        %dma_start3A_74 = tpu.memref_slice %arg11[%dma_start3A_72, %dma_start3A_73] : memref<10000x112xf32, #tpu.memory_space<vmem_shared>> -> memref<10000x112xf32, #tpu.memory_space<vmem_shared>>
        tpu.enqueue_indirect_dma source(%arg10 : memref<40x112xf32, #tpu.memory_space<vmem>>) target(%dma_start3A_74 : memref<10000x112xf32, #tpu.memory_space<vmem_shared>>) offsets(%dma_start3A_71 : memref<40xi32, #tpu.memory_space<vmem>>) semaphore(%run_scoped3A : memref<!tpu.dma_semaphore, #tpu.memory_space<semaphore_mem>>) {add = true}
        %dma_wait3A_75 = arith.constant 0 : i32
        %dma_wait3A_76 = tpu.memref_slice %arg8[%add3A_57, %dma_wait3A_75] : memref<250x40xi32, #tpu.memory_space<vmem>> -> memref<1x40xi32, #tpu.memory_space<vmem>>
        %dma_wait3A_77 = tpu.memref_squeeze %dma_wait3A_76 : memref<1x40xi32, #tpu.memory_space<vmem>> -> memref<40xi32, #tpu.memory_space<vmem>>
        %dma_wait3A_78 = arith.constant 0 : i32
        %dma_wait3A_79 = arith.constant 0 : i32
        %dma_wait3A_80 = tpu.memref_slice %arg11[%dma_wait3A_78, %dma_wait3A_79] : memref<10000x112xf32, #tpu.memory_space<vmem_shared>> -> memref<10000x112xf32, #tpu.memory_space<vmem_shared>>
        tpu.wait_indirect_dma semaphore(%run_scoped3A : memref<!tpu.dma_semaphore, #tpu.memory_space<semaphore_mem>>) src(%arg10 : memref<40x112xf32, #tpu.memory_space<vmem>>) dst(%dma_wait3A_80 : memref<10000x112xf32, #tpu.memory_space<vmem_shared>>)
        tpu.yield
      }) : () -> ()
    }
    %scan3A_32 = arith.constant 125 : i32
    %barrier3A_33 = arith.constant 0 : index
    tpu.barrier barrier_id(%barrier3A_33)
    "tpu.region"() ({
      %run_scoped3A = tpu.sem_alloc : memref<!tpu.dma_semaphore, #tpu.memory_space<semaphore_mem>>
      %dma_start3A_39 = arith.constant 0 : i32
      %dma_start3A_40 = tpu.memref_slice %arg6[%arg0, %mul3A_0, %dma_start3A_39] : memref<2x10000x112xf32, #tpu.memory_space<hbm>> -> memref<1x624x112xf32, #tpu.memory_space<hbm>>
      %dma_start3A_41 = tpu.memref_squeeze %dma_start3A_40 : memref<1x624x112xf32, #tpu.memory_space<hbm>> -> memref<624x112xf32, #tpu.memory_space<hbm>>
      %dma_start3A_42 = arith.constant 0 : i32
      %dma_start3A_43 = tpu.memref_slice %arg11[%mul3A_0, %dma_start3A_42] : memref<10000x112xf32, #tpu.memory_space<vmem_shared>> -> memref<624x112xf32, #tpu.memory_space<vmem_shared>>
      tpu.enqueue_dma source(%dma_start3A_43 : memref<624x112xf32, #tpu.memory_space<vmem_shared>>) target(%dma_start3A_41 : memref<624x112xf32, #tpu.memory_space<hbm>>) target_semaphore(%run_scoped3A : memref<!tpu.dma_semaphore, #tpu.memory_space<semaphore_mem>>)
      %dma_wait3A_44 = arith.constant 0 : i32
      %dma_wait3A_45 = tpu.memref_slice %arg6[%arg0, %mul3A_0, %dma_wait3A_44] : memref<2x10000x112xf32, #tpu.memory_space<hbm>> -> memref<1x624x112xf32, #tpu.memory_space<hbm>>
      %dma_wait3A_46 = tpu.memref_squeeze %dma_wait3A_45 : memref<1x624x112xf32, #tpu.memory_space<hbm>> -> memref<624x112xf32, #tpu.memory_space<hbm>>
      %dma_wait3A_47 = arith.constant 0 : i32
      %dma_wait3A_48 = tpu.memref_slice %arg11[%mul3A_0, %dma_wait3A_47] : memref<10000x112xf32, #tpu.memory_space<vmem_shared>> -> memref<624x112xf32, #tpu.memory_space<vmem_shared>>
      tpu.wait_dma2 semaphore(%run_scoped3A : memref<!tpu.dma_semaphore, #tpu.memory_space<semaphore_mem>>) src(%dma_wait3A_48 : memref<624x112xf32, #tpu.memory_space<vmem_shared>>) dst(%dma_wait3A_46 : memref<624x112xf32, #tpu.memory_space<hbm>>)
      tpu.yield
    }) : () -> ()
    %eq3A_34 = arith.constant 15 : i32
    %eq3A_35 = arith.cmpi eq, %arg1, %eq3A_34 : i32
    %convert_element_type3A_36 = arith.extui %eq3A_35 : i1 to i32
    %cond3A_37 = arith.constant 0 : i32
    %cond3A_38 = arith.cmpi ne, %convert_element_type3A_36, %cond3A_37 : i32
    scf.if %cond3A_38 {
      "tpu.region"() ({
        %run_scoped3A = tpu.sem_alloc : memref<!tpu.dma_semaphore, #tpu.memory_space<semaphore_mem>>
        %dma_start3A_39 = arith.constant 9984 : i32
        %dma_start3A_40 = arith.constant 0 : i32
        %dma_start3A_41 = tpu.memref_slice %arg6[%arg0, %dma_start3A_39, %dma_start3A_40] : memref<2x10000x112xf32, #tpu.memory_space<hbm>> -> memref<1x16x112xf32, #tpu.memory_space<hbm>>
        %dma_start3A_42 = tpu.memref_squeeze %dma_start3A_41 : memref<1x16x112xf32, #tpu.memory_space<hbm>> -> memref<16x112xf32, #tpu.memory_space<hbm>>
        %dma_start3A_43 = arith.constant 9984 : i32
        %dma_start3A_44 = arith.constant 0 : i32
        %dma_start3A_45 = tpu.memref_slice %arg11[%dma_start3A_43, %dma_start3A_44] : memref<10000x112xf32, #tpu.memory_space<vmem_shared>> -> memref<16x112xf32, #tpu.memory_space<vmem_shared>>
        tpu.enqueue_dma source(%dma_start3A_45 : memref<16x112xf32, #tpu.memory_space<vmem_shared>>) target(%dma_start3A_42 : memref<16x112xf32, #tpu.memory_space<hbm>>) target_semaphore(%run_scoped3A : memref<!tpu.dma_semaphore, #tpu.memory_space<semaphore_mem>>)
        %dma_wait3A_46 = arith.constant 9984 : i32
        %dma_wait3A_47 = arith.constant 0 : i32
        %dma_wait3A_48 = tpu.memref_slice %arg6[%arg0, %dma_wait3A_46, %dma_wait3A_47] : memref<2x10000x112xf32, #tpu.memory_space<hbm>> -> memref<1x16x112xf32, #tpu.memory_space<hbm>>
        %dma_wait3A_49 = tpu.memref_squeeze %dma_wait3A_48 : memref<1x16x112xf32, #tpu.memory_space<hbm>> -> memref<16x112xf32, #tpu.memory_space<hbm>>
        %dma_wait3A_50 = arith.constant 9984 : i32
        %dma_wait3A_51 = arith.constant 0 : i32
        %dma_wait3A_52 = tpu.memref_slice %arg11[%dma_wait3A_50, %dma_wait3A_51] : memref<10000x112xf32, #tpu.memory_space<vmem_shared>> -> memref<16x112xf32, #tpu.memory_space<vmem_shared>>
        tpu.wait_dma2 semaphore(%run_scoped3A : memref<!tpu.dma_semaphore, #tpu.memory_space<semaphore_mem>>) src(%dma_wait3A_52 : memref<16x112xf32, #tpu.memory_space<vmem_shared>>) dst(%dma_wait3A_49 : memref<16x112xf32, #tpu.memory_space<hbm>>)
        tpu.yield
      }) : () -> ()
    } else {
    }
    return
  }
}

module attributes {stable_mosaic.version = 14 : i64} {
  func.func @_mm_body(%arg0: i32, %arg1: memref<1000x128xf32, #tpu.memory_space<vmem>>, %arg2: memref<128x112xf32, #tpu.memory_space<vmem>>, %arg3: memref<1000x112xf32, #tpu.memory_space<vmem>>) attributes {dimension_semantics = [#tpu.dimension_semantics<arbitrary>], iteration_bounds = array<i64: 10>, scalar_prefetch = 0 : i64, scratch_operands = 0 : i64, tpu.core_type = #tpu.core_type<tc>, window_params = [{transform_indices = @transform_0, window_bounds = array<i64: 1000, 128>}, {pipeline_mode = #tpu.pipeline_mode<synchronous>, transform_indices = @transform_1, window_bounds = array<i64: 128, 112>}, {transform_indices = @transform_2, window_bounds = array<i64: 1000, 112>}]} {
    %get3A = arith.constant 0 : index
    %get3A_0 = arith.constant 0 : index
    %get3A_1 = vector.load %arg1[%get3A, %get3A_0] : memref<1000x128xf32, #tpu.memory_space<vmem>>, vector<1000x128xf32>
    %get3A_2 = arith.constant 0 : index
    %get3A_3 = arith.constant 0 : index
    %get3A_4 = vector.load %arg2[%get3A_2, %get3A_3] : memref<128x112xf32, #tpu.memory_space<vmem>>, vector<128x112xf32>
    %dot_general3A = arith.constant dense<0.000000e+00> : vector<1000x112xf32>
    %dot_general3A_5 = tpu.matmul %get3A_1, %get3A_4, %dot_general3A {dimension_numbers = #tpu.dot_dimension_numbers<[1], [0], [0], [1], [0, 0, 1, 1], [], []>, transpose_lhs_hint = false} : vector<1000x128xf32>, vector<128x112xf32>, vector<1000x112xf32> -> vector<1000x112xf32>
    %swap3A = arith.constant 0 : index
    %swap3A_6 = arith.constant 0 : index
    %swap3A_7 = vector.load %arg3[%swap3A, %swap3A_6] : memref<1000x112xf32, #tpu.memory_space<vmem>>, vector<1000x112xf32>
    tpu.vector_store %arg3[%swap3A, %swap3A_6], %dot_general3A_5 {strides = array<i32>} : memref<1000x112xf32, #tpu.memory_space<vmem>>, vector<1000x112xf32>,
    return
  }
  func.func @transform_0(%arg0: i32) -> (i32, i32) {
    %c0_i32 = arith.constant 0 : i32
    %c0_i32_0 = arith.constant 0 : i32
    return %arg0, %c0_i32 : i32, i32
  }
  func.func @transform_1(%arg0: i32) -> (i32, i32) {
    %c0_i32 = arith.constant 0 : i32
    %c0_i32_0 = arith.constant 0 : i32
    %c0_i32_1 = arith.constant 0 : i32
    return %c0_i32, %c0_i32_0 : i32, i32
  }
  func.func @transform_2(%arg0: i32) -> (i32, i32) {
    %c0_i32 = arith.constant 0 : i32
    %c0_i32_0 = arith.constant 0 : i32
    return %arg0, %c0_i32 : i32, i32
  }
}

module attributes {stable_mosaic.version = 14 : i64} {
  func.func @_relu_mm_body(%arg0: i32, %arg1: memref<2x1000x112xf32, #tpu.memory_space<vmem>>, %arg2: memref<112x16xf32, #tpu.memory_space<vmem>>, %arg3: memref<1000x16xf32, #tpu.memory_space<vmem>>) attributes {dimension_semantics = [#tpu.dimension_semantics<arbitrary>], iteration_bounds = array<i64: 10>, scalar_prefetch = 0 : i64, scratch_operands = 0 : i64, tpu.core_type = #tpu.core_type<tc>, window_params = [{transform_indices = @transform_0, window_bounds = array<i64: 2, 1000, 112>}, {pipeline_mode = #tpu.pipeline_mode<synchronous>, transform_indices = @transform_1, window_bounds = array<i64: 112, 16>}, {transform_indices = @transform_2, window_bounds = array<i64: 1000, 16>}]} {
    %get3A = arith.constant 0 : index
    %get3A_0 = arith.constant 0 : index
    %get3A_1 = arith.constant 0 : index
    %get3A_2 = vector.load %arg1[%get3A, %get3A_0, %get3A_1] : memref<2x1000x112xf32, #tpu.memory_space<vmem>>, vector<1x1000x112xf32>
    %get3A_3 = vector.shape_cast %get3A_2 : vector<1x1000x112xf32> to vector<1000x112xf32>
    %get3A_4 = arith.constant 1 : index
    %get3A_5 = arith.constant 0 : index
    %get3A_6 = arith.constant 0 : index
    %get3A_7 = vector.load %arg1[%get3A_4, %get3A_5, %get3A_6] : memref<2x1000x112xf32, #tpu.memory_space<vmem>>, vector<1x1000x112xf32>
    %get3A_8 = vector.shape_cast %get3A_7 : vector<1x1000x112xf32> to vector<1000x112xf32>
    %add3A = arith.addf %get3A_3, %get3A_8 : vector<1000x112xf32>
    %max3A = arith.constant 0.000000e+00 : f32
    %max3A_9 = vector.broadcast %max3A : f32 to vector<1000x112xf32>
    %max3A_10 = arith.maximumf %add3A, %max3A_9 : vector<1000x112xf32>
    %get3A_11 = arith.constant 0 : index
    %get3A_12 = arith.constant 0 : index
    %get3A_13 = vector.load %arg2[%get3A_11, %get3A_12] : memref<112x16xf32, #tpu.memory_space<vmem>>, vector<112x16xf32>
    %dot_general3A = arith.constant dense<0.000000e+00> : vector<1000x16xf32>
    %dot_general3A_14 = tpu.matmul %max3A_10, %get3A_13, %dot_general3A {dimension_numbers = #tpu.dot_dimension_numbers<[1], [0], [0], [1], [0, 0, 1, 1], [], []>, transpose_lhs_hint = false} : vector<1000x112xf32>, vector<112x16xf32>, vector<1000x16xf32> -> vector<1000x16xf32>
    %swap3A = arith.constant 0 : index
    %swap3A_15 = arith.constant 0 : index
    %swap3A_16 = vector.load %arg3[%swap3A, %swap3A_15] : memref<1000x16xf32, #tpu.memory_space<vmem>>, vector<1000x16xf32>
    tpu.vector_store %arg3[%swap3A, %swap3A_15], %dot_general3A_14 {strides = array<i32>} : memref<1000x16xf32, #tpu.memory_space<vmem>>, vector<1000x16xf32>,
    return
  }
  func.func @transform_0(%arg0: i32) -> (i32, i32, i32) {
    %c0_i32 = arith.constant 0 : i32
    %c0_i32_0 = arith.constant 0 : i32
    %c0_i32_1 = arith.constant 0 : i32
    return %c0_i32, %arg0, %c0_i32_0 : i32, i32, i32
  }
  func.func @transform_1(%arg0: i32) -> (i32, i32) {
    %c0_i32 = arith.constant 0 : i32
    %c0_i32_0 = arith.constant 0 : i32
    %c0_i32_1 = arith.constant 0 : i32
    return %c0_i32, %c0_i32_0 : i32, i32
  }
  func.func @transform_2(%arg0: i32) -> (i32, i32) {
    %c0_i32 = arith.constant 0 : i32
    %c0_i32_0 = arith.constant 0 : i32
    return %arg0, %c0_i32 : i32, i32
  }
}

module attributes {stable_mosaic.version = 14 : i64} {
  func.func @_final_body(%arg0: i32, %arg1: memref<2x1000x16xf32, #tpu.memory_space<vmem>>, %arg2: memref<1000x10xf32, #tpu.memory_space<vmem>>) attributes {dimension_semantics = [#tpu.dimension_semantics<arbitrary>], iteration_bounds = array<i64: 10>, scalar_prefetch = 0 : i64, scratch_operands = 0 : i64, tpu.core_type = #tpu.core_type<tc>, window_params = [{transform_indices = @transform_0, window_bounds = array<i64: 2, 1000, 16>}, {transform_indices = @transform_1, window_bounds = array<i64: 1000, 10>}]} {
    %get3A = arith.constant 0 : index
    %get3A_0 = arith.constant 0 : index
    %get3A_1 = arith.constant 0 : index
    %get3A_2 = vector.load %arg1[%get3A, %get3A_0, %get3A_1] : memref<2x1000x16xf32, #tpu.memory_space<vmem>>, vector<1x1000x16xf32>
    %get3A_3 = vector.shape_cast %get3A_2 : vector<1x1000x16xf32> to vector<1000x16xf32>
    %get3A_4 = arith.constant 1 : index
    %get3A_5 = arith.constant 0 : index
    %get3A_6 = arith.constant 0 : index
    %get3A_7 = vector.load %arg1[%get3A_4, %get3A_5, %get3A_6] : memref<2x1000x16xf32, #tpu.memory_space<vmem>>, vector<1x1000x16xf32>
    %get3A_8 = vector.shape_cast %get3A_7 : vector<1x1000x16xf32> to vector<1000x16xf32>
    %add3A = arith.addf %get3A_3, %get3A_8 : vector<1000x16xf32>
    %slice3A = vector.extract_strided_slice %add3A {offsets = [0, 0], sizes = [1000, 10], strides = [1, 1]} : vector<1000x16xf32> to vector<1000x10xf32>
    %swap3A = arith.constant 0 : index
    %swap3A_9 = arith.constant 0 : index
    %swap3A_10 = vector.load %arg2[%swap3A, %swap3A_9] : memref<1000x10xf32, #tpu.memory_space<vmem>>, vector<1000x10xf32>
    tpu.vector_store %arg2[%swap3A, %swap3A_9], %slice3A {strides = array<i32>} : memref<1000x10xf32, #tpu.memory_space<vmem>>, vector<1000x10xf32>,
    return
  }
  func.func @transform_0(%arg0: i32) -> (i32, i32, i32) {
    %c0_i32 = arith.constant 0 : i32
    %c0_i32_0 = arith.constant 0 : i32
    %c0_i32_1 = arith.constant 0 : i32
    return %c0_i32, %arg0, %c0_i32_0 : i32, i32, i32
  }
  func.func @transform_1(%arg0: i32) -> (i32, i32) {
    %c0_i32 = arith.constant 0 : i32
    %c0_i32_0 = arith.constant 0 : i32
    return %arg0, %c0_i32 : i32, i32
  }
}

</mosaic_0001>

<sc_bundles>
// kernel: kernel.10.cloned.1.call-start
scs
__scs_entry_jumppad:
0x0: {  	(pc) =	sbr.rel $0x88, $3  }
0x1: {  	(tag) =	ssettag $0x0;
	lr =	simm.s32 $0x1  }
0x2: {  	[smem:$0x3F9D] =	sst lr;
	_ =	strace $0xD0000000  }
0x3: {  	_ = 	snop  }
0x4: {  	_ = 	snop  }
0x5: {  	_ = 	snop  }
0x6: {  	_ = 	snop  }
0x7: {  	_ = 	snop  }
__scs_overlays_trampoline_lowered:
0x8: {  	[smem:$0x3FAC] =	sst s0  }
0x9: {  	[smem:$0x3FAD] =	sst s1  }
0xa: {  	[smem:$0x3FAE] =	sst s2  }
0xb: {  	[smem:$0x3FAF] =	sst s3  }
0xc: {  	[smem:$0x3FB0] =	sst s4  }
0xd: {  	[smem:$0x3FB1] =	sst s5  }
0xe: {  	[smem:$0x3FB2] =	sst s6  }
0xf: {  	[smem:$0x3FB3] =	sst s7  }
0x10: {  	[smem:$0x3FB4] =	sst s8  }
0x11: {  	[smem:$0x3FB5] =	sst s9;
	s0 =	simm.s32 @!p0 $0x0  }
0x12: {  	s1 =	sld [smem:$0x3F9B];
	s0 =	simm.s32 @p0 $0x1  }
0x13: {  	[smem:$0x3FB6] =	sst s0;
	s0 =	simm.s32 @!p1 $0x0  }
0x14: {  	s2 =	sld [smem:$0x3F9A];
	s0 =	simm.s32 @p1 $0x1  }
0x15: {  	[smem:$0x3FB7] =	sst s0;
	s0 =	simm.s32 @!p2 $0x0  }
0x16: {  	s3 =	sld [smem:$0x3FDB];
	s0 =	simm.s32 @p2 $0x1  }
0x17: {  	s4 =	simm.s32 $0x1BF5;
	[smem:$0x3FB9] =	sst s0  }
0x18: {  	s0 =	sld [smem:$0x3F9C];
	_ =	swait.ge [sflag:s4], $0x0  }
0x19: {  	s7 =	sld [smem:$0x3F9D]  }
0x1a: {  	s8 =	sadd.s32 $0xFFFFE003, lr  }
0x1b: {  	s9 =	sadd.s32 $0xFFFFFEF7, lr;
	s5 =	simm.s32 $0xFFFFFFFF;
	p2 =	slt.u32 s8, $0xFFFFF086  }
0x1c: {  	p1 =	slt.u32 s9, $0xF7A;
	s5 =	simm.s32 @!p2 $0x0  }
0x1d: {  	s5 =	simm.s32 @p1 $0x1;
	p0 =	seq.s32 s7, s2  }
0x1e: {  	s7 =	smul.u32 @!p0 $0xF7A, s2;
	p2 =	seq.s32 @!p0 s5, $0x0  }
0x1f: {  	s9 =	smul.u32 $0xF7A, s1;
	s8 =	simm.s32 @!p0 $0x1BF5;
	p2 =	por !p2, p0  }
0x20: {  	[sflag:s8] =	ssyncset.s32 @!p0 $0xFFFFF086;
	s6 =	sadd.s32 @!p0 s3, s7;
	s7 =	simm.s32 @!p0 $0x108  }
0x21: {  	s3 =	sadd.s32 s3, s9;
	s6 =	sadd.s32 @!p0 $0x88, s6;
	s7 =	simm.s32 @p2 $0x1082  }
0x22: {  	[simem:s7], [sflag:s8] =	dma.local @!p0 [hbm:s6], $0xF7A  }
0x23: {  	s9 =	sor.u32 $0xD0000000, s2;
	s6 =	simm.s32 $0x108;
	_ =	swait.ge @!p0 [sflag:s8], $0x0  }
0x24: {  	s3 =	sadd.s32 $0x88, s3;
	s6 =	simm.s32 @!p1 $0x1082;
	[sflag:s4] =	ssyncset.s32 $0xFFFFF086  }
0x25: {  	[simem:s6], [sflag:s4] =	dma.local [hbm:s3], $0xF7A  }
0x26: {  	[smem:$0x3F9D] =	sst s1;
	(tag) =	ssettag s2;
	_ =	strace s9  }
0x27: {  	s1 =	sld [smem:$0x3FAD]  }
0x28: {  	s2 =	sld [smem:$0x3FAE]  }
0x29: {  	s4 =	sld [smem:$0x3FB0]  }
0x2a: {  	p0 =	seq.s32 s5, $0x0;
	s5 =	sld [smem:$0x3FB1]  }
0x2b: {  	s6 =	sld [smem:$0x3FB2]  }
0x2c: {  	s7 =	sld [smem:$0x3FB3]  }
0x2d: {  	s3 =	simm.s32 $0x108;
	s8 =	sld [smem:$0x3FB4]  }
0x2e: {  	s3 =	simm.s32 @!p0 $0x1082;
	s9 =	sld [smem:$0x3FB5]  }
0x2f: {  	lr =	sadd.s32 s0, s3;
	s0 =	sld [smem:$0x3FAC]  }
0x30: {  	s3 =	sld [smem:$0x3FAF]  }
0x31: {  	[smem:$0x3FB8] =	sst s10  }
0x32: {  	s10 =	sld [smem:$0x3FB6];
	_ =	sdelay $0x3  }
0x33: {  	p0 =	seq.s32 s10, $0x1;
	s10 =	sld [smem:$0x3FB8];
	_ =	sdelay $0x3  }
0x34: {  	[smem:$0x3FB8] =	sst s10  }
0x35: {  	s10 =	sld [smem:$0x3FB7];
	_ =	sdelay $0x3  }
0x36: {  	p1 =	seq.s32 s10, $0x1;
	s10 =	sld [smem:$0x3FB8];
	_ =	sdelay $0x3  }
0x37: {  	[smem:$0x3FB8] =	sst s10  }
0x38: {  	s10 =	sld [smem:$0x3FB9]  }
0x39: {  	_ = 	snop;
	(pc) =	sbr.ind lr, $3  }
0x3a: {  	_ = 	snop  }
0x3b: {  	_ = 	snop  }
0x3c: {  	p2 =	seq.s32 s10, $0x1;
	s10 =	sld [smem:$0x3FB8]  }
0x3d: {  	_ =	shalt  }
0x3e: {  	_ =	shalt  }
0x3f: {  	_ =	shalt  }
0x40: {  	_ =	shalt  }
0x41: {  	_ =	shalt  }
0x42: {  	_ =	shalt  }
0x43: {  	_ =	shalt  }
0x44: {  	_ =	shalt  }
0x45: {  	_ =	shalt  }
0x46: {  	_ =	shalt  }
0x47: {  	_ =	shalt  }
0x48: {  	_ =	shalt  }
0x49: {  	_ =	shalt  }
0x4a: {  	_ =	shalt  }
0x4b: {  	_ =	shalt  }
0x4c: {  	_ =	shalt  }
0x4d: {  	_ =	shalt  }
0x4e: {  	_ =	shalt  }
0x4f: {  	_ =	shalt  }
0x50: {  	_ =	shalt  }
0x51: {  	_ =	shalt  }
0x52: {  	_ =	shalt  }
0x53: {  	_ =	shalt  }
0x54: {  	_ =	shalt  }
0x55: {  	_ =	shalt  }
0x56: {  	_ =	shalt  }
0x57: {  	_ =	shalt  }
0x58: {  	_ =	shalt  }
0x59: {  	_ =	shalt  }
0x5a: {  	_ =	shalt  }
0x5b: {  	_ =	shalt  }
0x5c: {  	_ =	shalt  }
0x5d: {  	_ =	shalt  }
0x5e: {  	_ =	shalt  }
0x5f: {  	_ =	shalt  }
0x60: {  	_ =	shalt  }
0x61: {  	_ =	shalt  }
0x62: {  	_ =	shalt  }
0x63: {  	_ =	shalt  }
0x64: {  	_ =	shalt  }
0x65: {  	_ =	shalt  }
0x66: {  	_ =	shalt  }
0x67: {  	_ =	shalt  }
0x68: {  	_ =	shalt  }
0x69: {  	_ =	shalt  }
0x6a: {  	_ =	shalt  }
0x6b: {  	_ =	shalt  }
0x6c: {  	_ =	shalt  }
0x6d: {  	_ =	shalt  }
0x6e: {  	_ =	shalt  }
0x6f: {  	_ =	shalt  }
0x70: {  	_ =	shalt  }
0x71: {  	_ =	shalt  }
0x72: {  	_ =	shalt  }
0x73: {  	_ =	shalt  }
0x74: {  	_ =	shalt  }
0x75: {  	_ =	shalt  }
0x76: {  	_ =	shalt  }
0x77: {  	_ =	shalt  }
0x78: {  	_ =	shalt  }
0x79: {  	_ =	shalt  }
0x7a: {  	_ =	shalt  }
0x7b: {  	_ =	shalt  }
0x7c: {  	_ =	shalt  }
0x7d: {  	_ =	shalt  }
0x7e: {  	_ =	shalt  }
0x7f: {  	_ =	shalt  }
0x80: {  	_ =	shalt  }
0x81: {  	_ =	shalt  }
0x82: {  	_ =	shalt  }
0x83: {  	_ =	shalt  }
0x84: {  	_ =	shalt  }
0x85: {  	_ =	shalt  }
0x86: {  	_ =	shalt  }
0x87: {  	_ =	shalt  }
.Lfunc_end0:
.L_simem_size_0:
called_computation.1_lowered:
.L_overlay_start_0:
0x88: {  	s2 =	sld [smem:$0x3FD9]  }
0x89: {  	s3 =	sld [smem:$0x3FFE];
	_ =	sdelay $0x1  }
0x8a: {  	s1 =	srdreg.scid  }
0x8b: {  	s0 =	sand.u32 $0x1, s1  }
0x8c: {  	s17 =	sshll.u32 s0, $0xA;
	s2 =	sadd.s32 s3, s2  }
0x8d: {  	s2 =	sadd.s32 s2, s17  }
0x8e: {  	[smem:$0x3FC4] =	sst s2  }
0x8f: {  	_ = 	snop  }
0x90: {  	s2 =	sld [smem:$0x3FD0];
	(tm) =	ssettm $0x1  }
0x91: {  	s18 =	sld [smem:$0x3FFB];
	_ =	sdelay $0x3  }
0x92: {  	_ =	strace s18  }
0x93: {  	s3 =	sld [smem:$0x3FFC];
	_ =	sdelay $0x3  }
0x94: {  	_ =	strace s3  }
0x95: {  	s3 =	sld [smem:$0x3FFD];
	_ =	sdelay $0x3  }
0x96: {  	_ =	strace s3  }
0x97: {  	_ =	strace $0x8FFFFFFF  }
0x98: {  	s19 =	sld [smem:$0x3FDB];
	_ =	sdelay $0x1  }
0x99: {  	s4 =	simm.s32 $_scs_section_size  }
0x9a: {  	s5 =	simm.s32 $_size__tile_overlayer_lowered;
	s6 =	simm.s32 $_tile_overlayer_lowered  }
0x9b: {  	s22 =	simm.s32 $0x1BFF;
	s21 =	sshll.u32 s6, $0x1;
	s3 =	sadd.s32 s4, s19  }
0x9c: {  	s7 =	simm.s32 $0x0;
	s20 =	sshll.u32 s5, $0x1;
	s5 =	sadd.s32 s21, s3  }
0x9d: {  	[timem:s7], [sflag:s22] =	dma.local [hbm:s5], s20  }
0x9e: {  	_ =	swait.ge [sflag:s22], s20  }
0x9f: {  	s4 =	ssub.s32 $0x0, s20;
	[sflag:s22] =	ssyncset.done $0x0  }
0xa0: {  	[sflag:s22] =	ssyncadd.s32 s4;
	_ =	sdelay $0x1  }
0xa1: {  	s23 =	simm.s32 $0x1B8B  }
0xa2: {  	_ =	swait.ge [sflag:s23], $0x1  }
0xa3: {  	[sflag:s23] =	ssyncset.done $0x0  }
0xa4: {  	s25 =	simm.s32 $0x1B8E;
	s24 =	sld [smem:$0x3FFE];
	[sflag:s23] =	ssyncadd.s32 $0xFFFFFFFF  }
0xa5: {  	s26 =	simm.s32 $execute0_lowered;
	[smem:$0x3FD2] =	sst s25  }
0xa6: {  	s5 =	sshll.u32 s26, $0x1;
	_ =	strace $0x80000049;
	[dreg:$0x1] =	wrdreg $0xFFFFFFFF  }
0xa7: {  	s28 =	simm.s32 $_size_execute0_lowered;
	s3 =	sadd.s32 s3, s5;
	[dreg:$0x0] =	wrdreg $0x0  }
0xa8: {  	s5 =	sshll.u32 s28, $0x1;
	[dreg:$0x2] =	wrdreg s3  }
0xa9: {  	[dreg:$0x3] =	wrdreg s5  }
0xaa: {  	[dreg:$0x4] =	wrdreg $0xC0  }
0xab: {  	_ =	task [dreg:s7], $0x5FFFF  }
0xac: {  	[dreg:$0x1] =	wrdreg $0xFFFFFFFF  }
0xad: {  	[dreg:$0x0] =	wrdreg $0x60  }
0xae: {  	[dreg:$0x2] =	wrdreg s2  }
0xaf: {  	[dreg:$0x3] =	wrdreg s24  }
0xb0: {  	[dreg:$0x4] =	wrdreg $0x53200  }
0xb1: {  	[dreg:$0x5] =	wrdreg $0x9  }
0xb2: {  	_ =	task.clear_ibuf [dreg:s7], $0x6FFFF;
	_ =	strace $0x90000049  }
0xb3: {  	s29 =	simm.s32 $0x9;
	_ =	strace $0x8000004B  }
0xb4: {  	_ =	swait.ge [sflag:s29], $0x1  }
0xb5: {  	[sflag:s29] =	ssyncadd.s32 $0xFFFFFFFF  }
0xb6: {  	_ =	strace $0x9000004B  }
0xb7: {  	_ =	sfence  }
0xb8: {  	s30 =	sld [smem:$0x0];
	_ =	sdelay $0x2  }
0xb9: {  	s31 =	sshll.u32 s1, $0xD;
	s1 =	sshrl.u32 s1, $0x2  }
0xba: {  	s3 =	sand.u32 $0x4000, s31;
	s1 =	sadd.s32 s1, s30  }
0xbb: {  	s0 =	sor.u32 s3, s0;
	s1 =	sshll.u32 s1, $0x11  }
0xbc: {  	s0 =	sor.u32 s1, s0  }
0xbd: {  	s0 =	sadd.s32 $0x8F2B, s0  }
0xbe: {  	[sflag:s0] =	ssyncadd.remote.s32 $0x1  }
0xbf: {  	_ =	sfence.sel $0xFFFF  }
0xc0: {  	[dreg:$0x0] =	wrdreg $0xFFFFFFFF;
	(pc) =	sbr.abs _section_cstart, $3  }
0xc1: {  	[dreg:$0x1] =	wrdreg $0xFFFFFFFF  }
0xc2: {  	_ =	task.clear_ibuf [dreg:s7], $0x2FFFF;
	_ =	strace $0x9FFFFFFF  }
0xc3: {  	(tm) =	ssettm $0x7FFFFFFF  }
tec
execute0_lowered:
.L_overlay_start_1:
0x0: {  	(tag) =	ssettag $0x1  }
0x1: {  	s1 =	rddreg [dreg:$0x0]  }
0x2: {  	s9 =	rddreg [dreg:$0x1]  }
0x3: {  	s0 =	srdreg.scid;
	s3 =	rddreg [dreg:$0x2];
	s4 =	simm.s32 $0x0  }
0x4: {  	s17 =	simm.s32 $0x1;
	s18 =	simm.s32 $0x28;
	s19 =	simm.s32 $0x4E20  }
0x5: {  	s20 =	simm.s32 $0x50A0;
	s21 =	simm.s32 $0x26E8;
	s22 =	simm.s32 $0x4DD0  }
0x6: {  	s23 =	simm.s32 $0x4DF8;
	s24 =	simm.s32 $0x0;
	s6 =	sand.u32 $0x1, s0  }
0x7: {  	s0 =	stileid.u32;
	[smem:$0x7FF] =	sst s4;
	s12 =	sadd.s32 $0x19200, s9  }
0x8: {  	s16 =	sadd.s32 $0x27000, s3;
	s2 =	sshll.u32 s6, $0x4;
	s10 =	smul.u32 $0x2700, s0  }
0x9: {  	s8 =	ssub.s32 $0x2, s6;
	s14 =	smul.u32 $0x27100, s6;
	s30 =	sshll.u32 s0, $0x6  }
0xa: {  	p0 =	sne.s32 s0, $0xF;
	s5 =	sor.u32 s0, s2;
	s2 =	rddreg [dreg:$0x3]  }
0xb: {  	_ =	strace $0x8000004A;
	s29 =	sshrl.u32 s8, $0x1;
	s16 =	sshrl.u32 @!p0 s16, $0x3  }
0xc: {  	s5 =	smul.u32 $0x4E2, s5;
	s28 =	sshrl.u32 s10, $0x3;
	s13 =	ssub.s32 s8, s29  }
0xd: {  	s15 =	sadd.s32 s10, s3;
	s8 =	sor.u32 $0x1C02, s30;
	s10 =	sadd.s32 s10, s14  }
0xe: {  	s31 =	sshrl.u32 s14, $0x3;
	s11 =	sadd.s32 s28, s9;
	s10 =	sshrl.u32 s10, $0x3  }
0xf: {  	s14 =	sshrl.u32 s15, $0x3;
	s15 =	simm.s32 $0x2;
	s7 =	sadd.s32 s5, s9  }
0x10: {  	s9 =	sadd.s32 $0x19000, s9;
	s10 =	sadd.s32 s12, s10;
	s5 =	sadd.s32 $0xA400, s7  }
0x11: {  	s6 =	sadd.s32 $0x600, s7;
	s7 =	sadd.s32 $0x14200, s11;
	s11 =	sadd.s32 s12, s31  }
0x12: {  	s12 =	smax.u32 s13, $0x1;
	s13 =	simm.s32 $0x2710;
	s11 =	sadd.s32 $0x4E00, s11  }
.LBB2_1:
0x13: {  	[tilespmem:s4], [sflag:$0x1] =	stream.linear.gather [hbm4b:s5+s4], $0x2710, $0x38;
	[tilespmem:$0x7A30] =	vst v63  }
0x14: {  	_ = 	snop  }
0x15: {  	[tilespmem:s13], [sflag:$0x1] =	stream.linear.gather [hbm4b:s6+s4], $0x2710, $0x38;
	[tilespmem:$0x7A30] =	vst v63  }
0x16: {  	[spmem:s14], [sflag:s8] =	dma.local [hbm:s7], $0x4E0  }
0x17: {  	_ =	swait.ge [sflag:s15], $0x4E0  }
0x18: {  	[sflag:s15] =	ssyncset.done $0x0  }
0x19: {  	s25 =	simm.s32 @!p0 $0x2;
	[sflag:s15] =	ssyncadd.s32 $0xFFFFFB20  }
0x1a: {  	[spmem:s16], [sflag:s8] =	dma.local @!p0 [hbm:s9], $0x20  }
0x1b: {  	_ =	swait.ge @!p0 [sflag:s25], $0x20  }
0x1c: {  	[sflag:s25] =	ssyncset.done @!p0 $0x0  }
0x1d: {  	[sflag:s25] =	ssyncadd.s32 @!p0 $0xFFFFFFE0  }
0x1e: {  	_ =	swait.ge [sflag:s17], $0x2710  }
0x1f: {  	[sflag:s17] =	ssyncset.done $0x0  }
0x20: {  	[sflag:s17] =	ssyncadd.s32 $0xFFFFD8F0  }
0x21: {  	_ =	swait.ge [sflag:s17], $0x2710  }
0x22: {  	[sflag:s17] =	ssyncset.done $0x0  }
0x23: {  	[sflag:s17] =	ssyncadd.s32 $0xFFFFD8F0  }
0x24: {  	[bflag:$0x0] =	sbarrier.arrive $0xFFFF  }
0x25: {  	[tilespmem:s19], [sflag:$0x1] =	stream.indirect.gather [hbm4b:s1+s18], $0x10, s4, s18, $0xb8;
	[tilespmem:$0x7A30] =	vst v63  }
0x26: {  	_ =	swait.ge [sflag:s17], $0x280  }
0x27: {  	[sflag:s17] =	ssyncset.done $0x0  }
0x28: {  	s28 =	simm.s32 $0x28;
	[sflag:s17] =	ssyncadd.s32 $0xFFFFFD80  }
0x29: {  	[tilespmem:s20], [sflag:$0x1] =	stream.indirect.gather [hbm4b:s1+s18], $0x10, s28, s18, $0xb8;
	[tilespmem:$0x7A30] =	vst v63  }
0x2a: {  	s29 =	simm.s32 $0x2710  }
0x2b: {  	[spmem:s3] =	stream.indirect.scatter.add.f32 [tilespmem:s19], [sflag:$0x2], $0x10, s29, s18, $0xb8;
	[tilespmem:$0x7A30] =	vst v63  }
0x2c: {  	_ =	swait.ge [sflag:s15], $0x280  }
0x2d: {  	[sflag:s15] =	ssyncset.done $0x0  }
0x2e: {  	[sflag:s15] =	ssyncadd.s32 $0xFFFFFD80  }
0x2f: {  	_ =	swait.ge [sflag:s17], $0x280  }
0x30: {  	[sflag:s17] =	ssyncset.done $0x0  }
0x31: {  	s30 =	simm.s32 $0x50;
	[sflag:s17] =	ssyncadd.s32 $0xFFFFFD80  }
0x32: {  	[tilespmem:s19], [sflag:$0x1] =	stream.indirect.gather [hbm4b:s1+s18], $0x10, s30, s18, $0xb8;
	[tilespmem:$0x7A30] =	vst v63  }
0x33: {  	s31 =	simm.s32 $0x2738  }
0x34: {  	[spmem:s3] =	stream.indirect.scatter.add.f32 [tilespmem:s20], [sflag:$0x2], $0x10, s31, s18, $0xb8;
	[tilespmem:$0x7A30] =	vst v63  }
0x35: {  	_ =	swait.ge [sflag:s15], $0x280  }
0x36: {  	s25 =	simm.s32 $0x140;
	[sflag:s15] =	ssyncset.done $0x0  }
.LBB2_2:
0x37: {  	p1 =	sne.s32 s25, $0x99C0  }
0x38: {  	[sflag:s15] =	ssyncadd.s32 $0xFFFFFD80;
	s26 =	smov.u32 s25;
	s25 =	sadd.s32 $0x140, s25  }
0x39: {  	_ = 	snop  }
0x3a: {  	_ =	swait.ge [sflag:s17], $0x280  }
0x3b: {  	s26 =	sshra.s32 s26, $0x2;
	[sflag:s17] =	ssyncset.done $0x0  }
0x3c: {  	s28 =	sadd.s32 $0x28, s26;
	[sflag:s17] =	ssyncadd.s32 $0xFFFFFD80  }
0x3d: {  	[tilespmem:s20], [sflag:$0x1] =	stream.indirect.gather [hbm4b:s1+s18], $0x10, s28, s18, $0xb8;
	[tilespmem:$0x7A30] =	vst v63  }
0x3e: {  	s28 =	sadd.s32 $0x2710, s26  }
0x3f: {  	[spmem:s3] =	stream.indirect.scatter.add.f32 [tilespmem:s19], [sflag:$0x2], $0x10, s28, s18, $0xb8;
	[tilespmem:$0x7A30] =	vst v63  }
0x40: {  	_ =	swait.ge [sflag:s15], $0x280  }
0x41: {  	[sflag:s15] =	ssyncset.done $0x0  }
0x42: {  	[sflag:s15] =	ssyncadd.s32 $0xFFFFFD80  }
0x43: {  	_ =	swait.ge [sflag:s17], $0x280  }
0x44: {  	[sflag:s17] =	ssyncset.done $0x0  }
0x45: {  	s28 =	sadd.s32 $0x50, s26;
	[sflag:s17] =	ssyncadd.s32 $0xFFFFFD80  }
0x46: {  	[tilespmem:s19], [sflag:$0x1] =	stream.indirect.gather [hbm4b:s1+s18], $0x10, s28, s18, $0xb8;
	[tilespmem:$0x7A30] =	vst v63  }
.Ltmp0:
0x47: {  	_ = 	snop;
	(pc) =	sbr.rel @p1 .LBB2_2-.Ltmp0, $4  }
0x48: {  	s26 =	sadd.s32 $0x2738, s26  }
0x49: {  	[spmem:s3] =	stream.indirect.scatter.add.f32 [tilespmem:s20], [sflag:$0x2], $0x10, s26, s18, $0xb8;
	[tilespmem:$0x7A30] =	vst v63  }
0x4a: {  	_ =	swait.ge [sflag:s15], $0x280  }
0x4b: {  	[sflag:s15] =	ssyncset.done $0x0  }
0x4c: {  	[sflag:s15] =	ssyncadd.s32 $0xFFFFFD80  }
0x4d: {  	_ =	swait.ge [sflag:s17], $0x280  }
0x4e: {  	[sflag:s17] =	ssyncset.done $0x0  }
0x4f: {  	[sflag:s17] =	ssyncadd.s32 $0xFFFFFD80  }
0x50: {  	[tilespmem:s20], [sflag:$0x1] =	stream.indirect.gather [hbm4b:s1+s18], $0x10, s21, s18, $0xb8;
	[tilespmem:$0x7A30] =	vst v63  }
0x51: {  	_ = 	snop  }
0x52: {  	[spmem:s3] =	stream.indirect.scatter.add.f32 [tilespmem:s19], [sflag:$0x2], $0x10, s22, s18, $0xb8;
	[tilespmem:$0x7A30] =	vst v63  }
0x53: {  	_ =	swait.ge [sflag:s15], $0x280  }
0x54: {  	[sflag:s15] =	ssyncset.done $0x0  }
0x55: {  	[sflag:s15] =	ssyncadd.s32 $0xFFFFFD80  }
0x56: {  	_ =	swait.ge [sflag:s17], $0x280  }
0x57: {  	[sflag:s17] =	ssyncset.done $0x0  }
0x58: {  	[sflag:s17] =	ssyncadd.s32 $0xFFFFFD80  }
0x59: {  	[spmem:s3] =	stream.indirect.scatter.add.f32 [tilespmem:s20], [sflag:$0x2], $0x10, s23, s18, $0xb8;
	[tilespmem:$0x7A30] =	vst v63  }
0x5a: {  	_ =	swait.ge [sflag:s15], $0x280  }
0x5b: {  	[sflag:s15] =	ssyncset.done $0x0  }
0x5c: {  	[sflag:s15] =	ssyncadd.s32 $0xFFFFFD80  }
0x5d: {  	[bflag:$0x0] =	sbarrier.arrive $0xFFFF  }
0x5e: {  	[hbm:s10], [sflag:s8] =	dma.local [spmem:s14], $0x4E0  }
0x5f: {  	s24 =	sadd.s32 $0x1, s24;
	_ =	swait.ge [sflag:s15], $0x4E0  }
0x60: {  	p1 =	sne.s32 s24, s12;
	[sflag:s15] =	ssyncset.done $0x0  }
.Ltmp1:
0x61: {  	s25 =	simm.s32 @!p0 $0x2;
	[sflag:s15] =	ssyncadd.s32 $0xFFFFFB20;
	(pc) =	sbr.rel @p1 .LBB2_1-.Ltmp1, $4  }
0x62: {  	[hbm:s11], [sflag:s8] =	dma.local @!p0 [spmem:s16], $0x20  }
0x63: {  	_ =	swait.ge @!p0 [sflag:s25], $0x20  }
0x64: {  	[sflag:s25] =	ssyncset.done @!p0 $0x0  }
0x65: {  	[sflag:s25] =	ssyncadd.s32 @!p0 $0xFFFFFFE0  }
0x66: {  	_ =	sfence.sel $0x180000  }
0x67: {  	[bflag:$0x0] =	sbarrier.arrive $0xFFFF  }
0x68: {  	p0 =	sne.s32 s0, $0x0;
	_ =	strace $0x9000004A  }
0x69: {  	s0 =	sadd.s32 @!p0 $0x100000, s2;
	[bflag:$0x2] =	sbarrier.arrive $0xFFFF  }
0x6a: {  	[sflag:s0] =	ssyncadd.tile.s32 @!p0 $0x1;
	_ =	shalt  }
.Lfunc_end2:
_tile_overlayer_lowered:
.L_overlay_start_2:
0x6b: {  	(tag) =	ssettag $0x2  }
0x6c: {  	s0 =	rddreg [dreg:$0x0];
	s2 =	stileid.u32  }
0x6d: {  	s1 =	rddreg [dreg:$0x1];
	p0 =	sne.s32 s2, $0x0  }
0x6e: {  	s3 =	rddreg [dreg:$0x2];
	[bflag:$0x3] =	sbarrier.arrive $0xFFFF;
	s2 =	simm.s32 @!p0 $0x1C02  }
0x6f: {  	[timem:s3], [sflag:s2] =	dma.local @!p0 [hbm:s0], s1  }
0x70: {  	s0 =	simm.s32 @!p0 $0x2  }
0x71: {  	_ =	swait.ge @!p0 [sflag:s0], s1  }
0x72: {  	s1 =	ssub.s32 @!p0 $0x0, s1;
	[sflag:s0] =	ssyncset.done @!p0 $0x0  }
0x73: {  	[sflag:s0] =	ssyncadd.s32 @!p0 s1  }
0x74: {  	[bflag:$0x3] =	sbarrier.arrive $0xFFFF  }
0x75: {  	_ =	shalt  }

// kernel: kernel.7.cloned.1.call-start
scs
__scs_entry_jumppad:
0x0: {  	(pc) =	sbr.rel $0x88, $3  }
0x1: {  	(tag) =	ssettag $0x0;
	lr =	simm.s32 $0x1  }
0x2: {  	[smem:$0x3F9D] =	sst lr;
	_ =	strace $0xD0000000  }
0x3: {  	_ = 	snop  }
0x4: {  	_ = 	snop  }
0x5: {  	_ = 	snop  }
0x6: {  	_ = 	snop  }
0x7: {  	_ = 	snop  }
__scs_overlays_trampoline_lowered:
0x8: {  	[smem:$0x3FAC] =	sst s0  }
0x9: {  	[smem:$0x3FAD] =	sst s1  }
0xa: {  	[smem:$0x3FAE] =	sst s2  }
0xb: {  	[smem:$0x3FAF] =	sst s3  }
0xc: {  	[smem:$0x3FB0] =	sst s4  }
0xd: {  	[smem:$0x3FB1] =	sst s5  }
0xe: {  	[smem:$0x3FB2] =	sst s6  }
0xf: {  	[smem:$0x3FB3] =	sst s7  }
0x10: {  	[smem:$0x3FB4] =	sst s8  }
0x11: {  	[smem:$0x3FB5] =	sst s9;
	s0 =	simm.s32 @!p0 $0x0  }
0x12: {  	s1 =	sld [smem:$0x3F9B];
	s0 =	simm.s32 @p0 $0x1  }
0x13: {  	[smem:$0x3FB6] =	sst s0;
	s0 =	simm.s32 @!p1 $0x0  }
0x14: {  	s2 =	sld [smem:$0x3F9A];
	s0 =	simm.s32 @p1 $0x1  }
0x15: {  	[smem:$0x3FB7] =	sst s0;
	s0 =	simm.s32 @!p2 $0x0  }
0x16: {  	s3 =	sld [smem:$0x3FDB];
	s0 =	simm.s32 @p2 $0x1  }
0x17: {  	s4 =	simm.s32 $0x1BF5;
	[smem:$0x3FB9] =	sst s0  }
0x18: {  	s0 =	sld [smem:$0x3F9C];
	_ =	swait.ge [sflag:s4], $0x0  }
0x19: {  	s7 =	sld [smem:$0x3F9D]  }
0x1a: {  	s8 =	sadd.s32 $0xFFFFE003, lr  }
0x1b: {  	s9 =	sadd.s32 $0xFFFFFEF7, lr;
	s5 =	simm.s32 $0xFFFFFFFF;
	p2 =	slt.u32 s8, $0xFFFFF086  }
0x1c: {  	p1 =	slt.u32 s9, $0xF7A;
	s5 =	simm.s32 @!p2 $0x0  }
0x1d: {  	s5 =	simm.s32 @p1 $0x1;
	p0 =	seq.s32 s7, s2  }
0x1e: {  	s7 =	smul.u32 @!p0 $0xF7A, s2;
	p2 =	seq.s32 @!p0 s5, $0x0  }
0x1f: {  	s9 =	smul.u32 $0xF7A, s1;
	s8 =	simm.s32 @!p0 $0x1BF5;
	p2 =	por !p2, p0  }
0x20: {  	[sflag:s8] =	ssyncset.s32 @!p0 $0xFFFFF086;
	s6 =	sadd.s32 @!p0 s3, s7;
	s7 =	simm.s32 @!p0 $0x108  }
0x21: {  	s3 =	sadd.s32 s3, s9;
	s6 =	sadd.s32 @!p0 $0x88, s6;
	s7 =	simm.s32 @p2 $0x1082  }
0x22: {  	[simem:s7], [sflag:s8] =	dma.local @!p0 [hbm:s6], $0xF7A  }
0x23: {  	s9 =	sor.u32 $0xD0000000, s2;
	s6 =	simm.s32 $0x108;
	_ =	swait.ge @!p0 [sflag:s8], $0x0  }
0x24: {  	s3 =	sadd.s32 $0x88, s3;
	s6 =	simm.s32 @!p1 $0x1082;
	[sflag:s4] =	ssyncset.s32 $0xFFFFF086  }
0x25: {  	[simem:s6], [sflag:s4] =	dma.local [hbm:s3], $0xF7A  }
0x26: {  	[smem:$0x3F9D] =	sst s1;
	(tag) =	ssettag s2;
	_ =	strace s9  }
0x27: {  	s1 =	sld [smem:$0x3FAD]  }
0x28: {  	s2 =	sld [smem:$0x3FAE]  }
0x29: {  	s4 =	sld [smem:$0x3FB0]  }
0x2a: {  	p0 =	seq.s32 s5, $0x0;
	s5 =	sld [smem:$0x3FB1]  }
0x2b: {  	s6 =	sld [smem:$0x3FB2]  }
0x2c: {  	s7 =	sld [smem:$0x3FB3]  }
0x2d: {  	s3 =	simm.s32 $0x108;
	s8 =	sld [smem:$0x3FB4]  }
0x2e: {  	s3 =	simm.s32 @!p0 $0x1082;
	s9 =	sld [smem:$0x3FB5]  }
0x2f: {  	lr =	sadd.s32 s0, s3;
	s0 =	sld [smem:$0x3FAC]  }
0x30: {  	s3 =	sld [smem:$0x3FAF]  }
0x31: {  	[smem:$0x3FB8] =	sst s10  }
0x32: {  	s10 =	sld [smem:$0x3FB6];
	_ =	sdelay $0x3  }
0x33: {  	p0 =	seq.s32 s10, $0x1;
	s10 =	sld [smem:$0x3FB8];
	_ =	sdelay $0x3  }
0x34: {  	[smem:$0x3FB8] =	sst s10  }
0x35: {  	s10 =	sld [smem:$0x3FB7];
	_ =	sdelay $0x3  }
0x36: {  	p1 =	seq.s32 s10, $0x1;
	s10 =	sld [smem:$0x3FB8];
	_ =	sdelay $0x3  }
0x37: {  	[smem:$0x3FB8] =	sst s10  }
0x38: {  	s10 =	sld [smem:$0x3FB9]  }
0x39: {  	_ = 	snop;
	(pc) =	sbr.ind lr, $3  }
0x3a: {  	_ = 	snop  }
0x3b: {  	_ = 	snop  }
0x3c: {  	p2 =	seq.s32 s10, $0x1;
	s10 =	sld [smem:$0x3FB8]  }
0x3d: {  	_ =	shalt  }
0x3e: {  	_ =	shalt  }
0x3f: {  	_ =	shalt  }
0x40: {  	_ =	shalt  }
0x41: {  	_ =	shalt  }
0x42: {  	_ =	shalt  }
0x43: {  	_ =	shalt  }
0x44: {  	_ =	shalt  }
0x45: {  	_ =	shalt  }
0x46: {  	_ =	shalt  }
0x47: {  	_ =	shalt  }
0x48: {  	_ =	shalt  }
0x49: {  	_ =	shalt  }
0x4a: {  	_ =	shalt  }
0x4b: {  	_ =	shalt  }
0x4c: {  	_ =	shalt  }
0x4d: {  	_ =	shalt  }
0x4e: {  	_ =	shalt  }
0x4f: {  	_ =	shalt  }
0x50: {  	_ =	shalt  }
0x51: {  	_ =	shalt  }
0x52: {  	_ =	shalt  }
0x53: {  	_ =	shalt  }
0x54: {  	_ =	shalt  }
0x55: {  	_ =	shalt  }
0x56: {  	_ =	shalt  }
0x57: {  	_ =	shalt  }
0x58: {  	_ =	shalt  }
0x59: {  	_ =	shalt  }
0x5a: {  	_ =	shalt  }
0x5b: {  	_ =	shalt  }
0x5c: {  	_ =	shalt  }
0x5d: {  	_ =	shalt  }
0x5e: {  	_ =	shalt  }
0x5f: {  	_ =	shalt  }
0x60: {  	_ =	shalt  }
0x61: {  	_ =	shalt  }
0x62: {  	_ =	shalt  }
0x63: {  	_ =	shalt  }
0x64: {  	_ =	shalt  }
0x65: {  	_ =	shalt  }
0x66: {  	_ =	shalt  }
0x67: {  	_ =	shalt  }
0x68: {  	_ =	shalt  }
0x69: {  	_ =	shalt  }
0x6a: {  	_ =	shalt  }
0x6b: {  	_ =	shalt  }
0x6c: {  	_ =	shalt  }
0x6d: {  	_ =	shalt  }
0x6e: {  	_ =	shalt  }
0x6f: {  	_ =	shalt  }
0x70: {  	_ =	shalt  }
0x71: {  	_ =	shalt  }
0x72: {  	_ =	shalt  }
0x73: {  	_ =	shalt  }
0x74: {  	_ =	shalt  }
0x75: {  	_ =	shalt  }
0x76: {  	_ =	shalt  }
0x77: {  	_ =	shalt  }
0x78: {  	_ =	shalt  }
0x79: {  	_ =	shalt  }
0x7a: {  	_ =	shalt  }
0x7b: {  	_ =	shalt  }
0x7c: {  	_ =	shalt  }
0x7d: {  	_ =	shalt  }
0x7e: {  	_ =	shalt  }
0x7f: {  	_ =	shalt  }
0x80: {  	_ =	shalt  }
0x81: {  	_ =	shalt  }
0x82: {  	_ =	shalt  }
0x83: {  	_ =	shalt  }
0x84: {  	_ =	shalt  }
0x85: {  	_ =	shalt  }
0x86: {  	_ =	shalt  }
0x87: {  	_ =	shalt  }
.Lfunc_end0:
.L_simem_size_0:
called_computation_lowered:
.L_overlay_start_0:
0x88: {  	s2 =	sld [smem:$0x3FD9]  }
0x89: {  	s3 =	sld [smem:$0x3FFE];
	_ =	sdelay $0x1  }
0x8a: {  	s1 =	srdreg.scid  }
0x8b: {  	s0 =	sand.u32 $0x1, s1  }
0x8c: {  	s16 =	sshll.u32 s0, $0xA;
	s2 =	sadd.s32 s3, s2  }
0x8d: {  	s2 =	sadd.s32 s2, s16  }
0x8e: {  	[smem:$0x3FC4] =	sst s2  }
0x8f: {  	_ = 	snop  }
0x90: {  	(tm) =	ssettm $0x1  }
0x91: {  	s17 =	sld [smem:$0x3FFB];
	_ =	sdelay $0x3  }
0x92: {  	_ =	strace s17  }
0x93: {  	s2 =	sld [smem:$0x3FFC];
	_ =	sdelay $0x3  }
0x94: {  	_ =	strace s2  }
0x95: {  	s2 =	sld [smem:$0x3FFD];
	_ =	sdelay $0x3  }
0x96: {  	_ =	strace s2  }
0x97: {  	_ =	strace $0x8FFFFFFF  }
0x98: {  	s18 =	sld [smem:$0x3FDB];
	_ =	sdelay $0x1  }
0x99: {  	s19 =	simm.s32 $_scs_section_size  }
0x9a: {  	s4 =	simm.s32 $_size__tile_overlayer_lowered;
	s5 =	simm.s32 $_tile_overlayer_lowered  }
0x9b: {  	s22 =	simm.s32 $0x1BFF;
	s21 =	sshll.u32 s5, $0x1;
	s2 =	sadd.s32 s19, s18  }
0x9c: {  	s6 =	simm.s32 $0x0;
	s20 =	sshll.u32 s4, $0x1;
	s4 =	sadd.s32 s21, s2  }
0x9d: {  	[timem:s6], [sflag:s22] =	dma.local [hbm:s4], s20  }
0x9e: {  	_ =	swait.ge [sflag:s22], s20  }
0x9f: {  	s3 =	ssub.s32 $0x0, s20;
	[sflag:s22] =	ssyncset.done $0x0  }
0xa0: {  	[sflag:s22] =	ssyncadd.s32 s3;
	_ =	sdelay $0x1  }
0xa1: {  	s23 =	simm.s32 $0x1B8B  }
0xa2: {  	_ =	swait.ge [sflag:s23], $0x1  }
0xa3: {  	[sflag:s23] =	ssyncset.done $0x0  }
0xa4: {  	s25 =	simm.s32 $0x1B8E;
	s24 =	sld [smem:$0x3FFE];
	[sflag:s23] =	ssyncadd.s32 $0xFFFFFFFF  }
0xa5: {  	s26 =	simm.s32 $execute0_lowered;
	[smem:$0x3FD2] =	sst s25  }
0xa6: {  	s4 =	sshll.u32 s26, $0x1;
	_ =	strace $0x80000046;
	[dreg:$0x1] =	wrdreg $0xFFFFFFFF  }
0xa7: {  	s28 =	simm.s32 $_size_execute0_lowered;
	s2 =	sadd.s32 s2, s4;
	[dreg:$0x0] =	wrdreg $0x0  }
0xa8: {  	s4 =	sshll.u32 s28, $0x1;
	[dreg:$0x2] =	wrdreg s2  }
0xa9: {  	[dreg:$0x3] =	wrdreg s4  }
0xaa: {  	[dreg:$0x4] =	wrdreg $0xC0  }
0xab: {  	_ =	task [dreg:s6], $0x5FFFF  }
0xac: {  	[dreg:$0x1] =	wrdreg $0xFFFFFFFF  }
0xad: {  	[dreg:$0x0] =	wrdreg $0x60  }
0xae: {  	[dreg:$0x2] =	wrdreg s24  }
0xaf: {  	[dreg:$0x3] =	wrdreg $0x71200  }
0xb0: {  	[dreg:$0x4] =	wrdreg $0x9  }
0xb1: {  	_ =	task.clear_ibuf [dreg:s6], $0x5FFFF;
	_ =	strace $0x90000046  }
0xb2: {  	s29 =	simm.s32 $0x9;
	_ =	strace $0x80000048  }
0xb3: {  	_ =	swait.ge [sflag:s29], $0x1  }
0xb4: {  	[sflag:s29] =	ssyncadd.s32 $0xFFFFFFFF  }
0xb5: {  	_ =	strace $0x90000048  }
0xb6: {  	_ =	sfence  }
0xb7: {  	s30 =	sld [smem:$0x0];
	_ =	sdelay $0x2  }
0xb8: {  	s31 =	sshll.u32 s1, $0xD;
	s1 =	sshrl.u32 s1, $0x2  }
0xb9: {  	s3 =	sand.u32 $0x4000, s31;
	s1 =	sadd.s32 s1, s30  }
0xba: {  	s0 =	sor.u32 s3, s0;
	s1 =	sshll.u32 s1, $0x11  }
0xbb: {  	s0 =	sor.u32 s1, s0  }
0xbc: {  	s0 =	sadd.s32 $0x8F2B, s0  }
0xbd: {  	[sflag:s0] =	ssyncadd.remote.s32 $0x1  }
0xbe: {  	_ =	sfence.sel $0xFFFF  }
0xbf: {  	[dreg:$0x0] =	wrdreg $0xFFFFFFFF;
	(pc) =	sbr.abs _section_cstart, $3  }
0xc0: {  	[dreg:$0x1] =	wrdreg $0xFFFFFFFF  }
0xc1: {  	_ =	task.clear_ibuf [dreg:s6], $0x2FFFF;
	_ =	strace $0x9FFFFFFF  }
0xc2: {  	(tm) =	ssettm $0x7FFFFFFF  }
0xc3: {  	_ =	shalt  }
tec
execute0_lowered:
.L_overlay_start_1:
0x0: {  	(tag) =	ssettag $0x1  }
0x1: {  	s0 =	srdreg.scid;
	s9 =	rddreg [dreg:$0x0]  }
0x2: {  	s2 =	rddreg [dreg:$0x1];
	s3 =	simm.s32 $0x0;
	s17 =	simm.s32 $0x1  }
0x3: {  	s18 =	simm.s32 $0x28;
	s19 =	simm.s32 $0x4E20;
	s20 =	simm.s32 $0x5FA0  }
0x4: {  	s21 =	simm.s32 $0x26E8;
	s22 =	simm.s32 $0x4DD0;
	s23 =	simm.s32 $0x4DF8  }
0x5: {  	s24 =	simm.s32 $0x0;
	s6 =	sand.u32 $0x1, s0;
	s0 =	stileid.u32  }
0x6: {  	[smem:$0x7FF] =	sst s3;
	s12 =	sadd.s32 $0x58A00, s9;
	s16 =	sadd.s32 $0x111000, s2  }
0x7: {  	s1 =	sshll.u32 s6, $0x4;
	s10 =	smul.u32 $0x11100, s0;
	s8 =	ssub.s32 $0x2, s6  }
0x8: {  	s14 =	smul.u32 $0x111700, s6;
	s30 =	sshll.u32 s0, $0x6;
	p0 =	sne.s32 s0, $0xF  }
0x9: {  	s4 =	sor.u32 s0, s1;
	s1 =	rddreg [dreg:$0x2];
	_ =	strace $0x80000047  }
0xa: {  	s29 =	sshrl.u32 s8, $0x1;
	s16 =	sshrl.u32 @!p0 s16, $0x3;
	s5 =	smul.u32 $0x4E2, s4  }
0xb: {  	s4 =	sadd.s32 $0x14200, s9;
	s28 =	sshrl.u32 s10, $0x3;
	s13 =	ssub.s32 s8, s29  }
0xc: {  	s15 =	sadd.s32 s10, s2;
	s8 =	sor.u32 $0x1C02, s30;
	s10 =	sadd.s32 s10, s14  }
0xd: {  	s31 =	sshrl.u32 s14, $0x3;
	s11 =	sadd.s32 s28, s9;
	s10 =	sshrl.u32 s10, $0x3  }
0xe: {  	s14 =	sshrl.u32 s15, $0x3;
	s15 =	simm.s32 $0x2;
	s7 =	sadd.s32 s5, s9  }
0xf: {  	s9 =	sadd.s32 $0x58800, s9;
	s10 =	sadd.s32 s12, s10;
	s5 =	sadd.s32 $0xA400, s7  }
0x10: {  	s6 =	sadd.s32 $0x600, s7;
	s7 =	sadd.s32 $0x36600, s11;
	s11 =	sadd.s32 s12, s31  }
0x11: {  	s12 =	smax.u32 s13, $0x1;
	s13 =	simm.s32 $0x2710;
	s11 =	sadd.s32 $0x22200, s11  }
.LBB2_1:
0x12: {  	[tilespmem:s3], [sflag:$0x1] =	stream.linear.gather [hbm4b:s5+s3], $0x2710, $0x38;
	[tilespmem:$0x18290] =	vst v63  }
0x13: {  	_ = 	snop  }
0x14: {  	[tilespmem:s13], [sflag:$0x1] =	stream.linear.gather [hbm4b:s6+s3], $0x2710, $0x38;
	[tilespmem:$0x18290] =	vst v63  }
0x15: {  	[spmem:s14], [sflag:s8] =	dma.local [hbm:s7], $0x2220  }
0x16: {  	_ =	swait.ge [sflag:s15], $0x2220  }
0x17: {  	[sflag:s15] =	ssyncset.done $0x0  }
0x18: {  	s25 =	simm.s32 @!p0 $0x2;
	[sflag:s15] =	ssyncadd.s32 $0xFFFFDDE0  }
0x19: {  	[spmem:s16], [sflag:s8] =	dma.local @!p0 [hbm:s9], $0xE0  }
0x1a: {  	_ =	swait.ge @!p0 [sflag:s25], $0xE0  }
0x1b: {  	[sflag:s25] =	ssyncset.done @!p0 $0x0  }
0x1c: {  	[sflag:s25] =	ssyncadd.s32 @!p0 $0xFFFFFF20  }
0x1d: {  	_ =	swait.ge [sflag:s17], $0x2710  }
0x1e: {  	[sflag:s17] =	ssyncset.done $0x0  }
0x1f: {  	[sflag:s17] =	ssyncadd.s32 $0xFFFFD8F0  }
0x20: {  	_ =	swait.ge [sflag:s17], $0x2710  }
0x21: {  	[sflag:s17] =	ssyncset.done $0x0  }
0x22: {  	[sflag:s17] =	ssyncadd.s32 $0xFFFFD8F0  }
0x23: {  	[bflag:$0x0] =	sbarrier.arrive $0xFFFF  }
0x24: {  	[tilespmem:s19], [sflag:$0x1] =	stream.indirect.gather [hbm4b:s4+s18], $0x70, s3, s18, $0xb8;
	[tilespmem:$0x18290] =	vst v63  }
0x25: {  	_ =	swait.ge [sflag:s17], $0x1180  }
0x26: {  	[sflag:s17] =	ssyncset.done $0x0  }
0x27: {  	s28 =	simm.s32 $0x28;
	[sflag:s17] =	ssyncadd.s32 $0xFFFFEE80  }
0x28: {  	[tilespmem:s20], [sflag:$0x1] =	stream.indirect.gather [hbm4b:s4+s18], $0x70, s28, s18, $0xb8;
	[tilespmem:$0x18290] =	vst v63  }
0x29: {  	s29 =	simm.s32 $0x2710  }
0x2a: {  	[spmem:s2] =	stream.indirect.scatter.add.f32 [tilespmem:s19], [sflag:$0x2], $0x70, s29, s18, $0xb8;
	[tilespmem:$0x18290] =	vst v63  }
0x2b: {  	_ =	swait.ge [sflag:s15], $0x1180  }
0x2c: {  	[sflag:s15] =	ssyncset.done $0x0  }
0x2d: {  	[sflag:s15] =	ssyncadd.s32 $0xFFFFEE80  }
0x2e: {  	_ =	swait.ge [sflag:s17], $0x1180  }
0x2f: {  	[sflag:s17] =	ssyncset.done $0x0  }
0x30: {  	s30 =	simm.s32 $0x50;
	[sflag:s17] =	ssyncadd.s32 $0xFFFFEE80  }
0x31: {  	[tilespmem:s19], [sflag:$0x1] =	stream.indirect.gather [hbm4b:s4+s18], $0x70, s30, s18, $0xb8;
	[tilespmem:$0x18290] =	vst v63  }
0x32: {  	s31 =	simm.s32 $0x2738  }
0x33: {  	[spmem:s2] =	stream.indirect.scatter.add.f32 [tilespmem:s20], [sflag:$0x2], $0x70, s31, s18, $0xb8;
	[tilespmem:$0x18290] =	vst v63  }
0x34: {  	_ =	swait.ge [sflag:s15], $0x1180  }
0x35: {  	s25 =	simm.s32 $0x140;
	[sflag:s15] =	ssyncset.done $0x0  }
.LBB2_2:
0x36: {  	p1 =	sne.s32 s25, $0x99C0  }
0x37: {  	[sflag:s15] =	ssyncadd.s32 $0xFFFFEE80;
	s26 =	smov.u32 s25;
	s25 =	sadd.s32 $0x140, s25  }
0x38: {  	_ = 	snop  }
0x39: {  	_ =	swait.ge [sflag:s17], $0x1180  }
0x3a: {  	s26 =	sshra.s32 s26, $0x2;
	[sflag:s17] =	ssyncset.done $0x0  }
0x3b: {  	s28 =	sadd.s32 $0x28, s26;
	[sflag:s17] =	ssyncadd.s32 $0xFFFFEE80  }
0x3c: {  	[tilespmem:s20], [sflag:$0x1] =	stream.indirect.gather [hbm4b:s4+s18], $0x70, s28, s18, $0xb8;
	[tilespmem:$0x18290] =	vst v63  }
0x3d: {  	s28 =	sadd.s32 $0x2710, s26  }
0x3e: {  	[spmem:s2] =	stream.indirect.scatter.add.f32 [tilespmem:s19], [sflag:$0x2], $0x70, s28, s18, $0xb8;
	[tilespmem:$0x18290] =	vst v63  }
0x3f: {  	_ =	swait.ge [sflag:s15], $0x1180  }
0x40: {  	[sflag:s15] =	ssyncset.done $0x0  }
0x41: {  	[sflag:s15] =	ssyncadd.s32 $0xFFFFEE80  }
0x42: {  	_ =	swait.ge [sflag:s17], $0x1180  }
0x43: {  	[sflag:s17] =	ssyncset.done $0x0  }
0x44: {  	s28 =	sadd.s32 $0x50, s26;
	[sflag:s17] =	ssyncadd.s32 $0xFFFFEE80  }
0x45: {  	[tilespmem:s19], [sflag:$0x1] =	stream.indirect.gather [hbm4b:s4+s18], $0x70, s28, s18, $0xb8;
	[tilespmem:$0x18290] =	vst v63  }
.Ltmp0:
0x46: {  	_ = 	snop;
	(pc) =	sbr.rel @p1 .LBB2_2-.Ltmp0, $4  }
0x47: {  	s26 =	sadd.s32 $0x2738, s26  }
0x48: {  	[spmem:s2] =	stream.indirect.scatter.add.f32 [tilespmem:s20], [sflag:$0x2], $0x70, s26, s18, $0xb8;
	[tilespmem:$0x18290] =	vst v63  }
0x49: {  	_ =	swait.ge [sflag:s15], $0x1180  }
0x4a: {  	[sflag:s15] =	ssyncset.done $0x0  }
0x4b: {  	[sflag:s15] =	ssyncadd.s32 $0xFFFFEE80  }
0x4c: {  	_ =	swait.ge [sflag:s17], $0x1180  }
0x4d: {  	[sflag:s17] =	ssyncset.done $0x0  }
0x4e: {  	[sflag:s17] =	ssyncadd.s32 $0xFFFFEE80  }
0x4f: {  	[tilespmem:s20], [sflag:$0x1] =	stream.indirect.gather [hbm4b:s4+s18], $0x70, s21, s18, $0xb8;
	[tilespmem:$0x18290] =	vst v63  }
0x50: {  	_ = 	snop  }
0x51: {  	[spmem:s2] =	stream.indirect.scatter.add.f32 [tilespmem:s19], [sflag:$0x2], $0x70, s22, s18, $0xb8;
	[tilespmem:$0x18290] =	vst v63  }
0x52: {  	_ =	swait.ge [sflag:s15], $0x1180  }
0x53: {  	[sflag:s15] =	ssyncset.done $0x0  }
0x54: {  	[sflag:s15] =	ssyncadd.s32 $0xFFFFEE80  }
0x55: {  	_ =	swait.ge [sflag:s17], $0x1180  }
0x56: {  	[sflag:s17] =	ssyncset.done $0x0  }
0x57: {  	[sflag:s17] =	ssyncadd.s32 $0xFFFFEE80  }
0x58: {  	[spmem:s2] =	stream.indirect.scatter.add.f32 [tilespmem:s20], [sflag:$0x2], $0x70, s23, s18, $0xb8;
	[tilespmem:$0x18290] =	vst v63  }
0x59: {  	_ =	swait.ge [sflag:s15], $0x1180  }
0x5a: {  	[sflag:s15] =	ssyncset.done $0x0  }
0x5b: {  	[sflag:s15] =	ssyncadd.s32 $0xFFFFEE80  }
0x5c: {  	[bflag:$0x0] =	sbarrier.arrive $0xFFFF  }
0x5d: {  	[hbm:s10], [sflag:s8] =	dma.local [spmem:s14], $0x2220  }
0x5e: {  	s24 =	sadd.s32 $0x1, s24;
	_ =	swait.ge [sflag:s15], $0x2220  }
0x5f: {  	p1 =	sne.s32 s24, s12;
	[sflag:s15] =	ssyncset.done $0x0  }
.Ltmp1:
0x60: {  	s25 =	simm.s32 @!p0 $0x2;
	[sflag:s15] =	ssyncadd.s32 $0xFFFFDDE0;
	(pc) =	sbr.rel @p1 .LBB2_1-.Ltmp1, $4  }
0x61: {  	[hbm:s11], [sflag:s8] =	dma.local @!p0 [spmem:s16], $0xE0  }
0x62: {  	_ =	swait.ge @!p0 [sflag:s25], $0xE0  }
0x63: {  	[sflag:s25] =	ssyncset.done @!p0 $0x0  }
0x64: {  	[sflag:s25] =	ssyncadd.s32 @!p0 $0xFFFFFF20  }
0x65: {  	_ =	sfence.sel $0x180000  }
0x66: {  	[bflag:$0x0] =	sbarrier.arrive $0xFFFF  }
0x67: {  	p0 =	sne.s32 s0, $0x0;
	_ =	strace $0x90000047  }
0x68: {  	s0 =	sadd.s32 @!p0 $0x100000, s1;
	[bflag:$0x2] =	sbarrier.arrive $0xFFFF  }
0x69: {  	[sflag:s0] =	ssyncadd.tile.s32 @!p0 $0x1;
	_ =	shalt  }
.Lfunc_end2:
_tile_overlayer_lowered:
.L_overlay_start_2:
0x6a: {  	(tag) =	ssettag $0x2  }
0x6b: {  	s0 =	rddreg [dreg:$0x0];
	s2 =	stileid.u32  }
0x6c: {  	s1 =	rddreg [dreg:$0x1];
	p0 =	sne.s32 s2, $0x0  }
0x6d: {  	s3 =	rddreg [dreg:$0x2];
	[bflag:$0x3] =	sbarrier.arrive $0xFFFF;
	s2 =	simm.s32 @!p0 $0x1C02  }
0x6e: {  	[timem:s3], [sflag:s2] =	dma.local @!p0 [hbm:s0], s1  }
0x6f: {  	s0 =	simm.s32 @!p0 $0x2  }
0x70: {  	_ =	swait.ge @!p0 [sflag:s0], s1  }
0x71: {  	s1 =	ssub.s32 @!p0 $0x0, s1;
	[sflag:s0] =	ssyncset.done @!p0 $0x0  }
0x72: {  	[sflag:s0] =	ssyncadd.s32 @!p0 s1  }
0x73: {  	[bflag:$0x3] =	sbarrier.arrive $0xFFFF  }
0x74: {  	_ =	shalt  }

</sc_bundles>
